<compile_context>
chip_gen: v7x
topology: tpu7x:2x2x1
jax: 0.10.2.dev20260603
libtpu: 0.0.44.dev20260713+nightly
codegen_flags: <defaults>
</compile_context>

<pallas_src>
import functools

import jax
import jax.numpy as jnp
from jax import lax
from jax.experimental import pallas as pl
from jax.experimental.pallas import tpu as pltpu
from jax.experimental.pallas import tpu_sc as plsc

N = 50000
K = 16
C = 64
FLAT = N * K
NW = 32
ROWS = 1568
RLAST = N - ROWS
NBT = ROWS * K


def _sc_mesh():
    return plsc.VectorSubcoreMesh(core_axis_name="c", subcore_axis_name="s",
                                  num_cores=2, num_subcores=16)


_SC_PARAMS = pltpu.CompilerParams(needs_layout_passes=False,
                                  use_tc_tiling_on_sc=False)


def _idx_body(edges_hbm, bnd_hbm, idx_hbm, bnd_v, edges_v, idx_v):
    w = lax.axis_index("s") * 2 + lax.axis_index("c")
    r0 = jnp.minimum(w * ROWS, RLAST)
    pltpu.sync_copy(bnd_hbm, bnd_v)
    pltpu.sync_copy(edges_hbm.at[pl.ds(r0, ROWS)], edges_v)

    def body(r, carry):
        e = edges_v[r, :]
        bg = plsc.load_gather(bnd_v, [e])
        self_vec = jnp.broadcast_to(r0 + r, (16,)).astype(jnp.int32)
        bi = plsc.load_gather(bnd_v, [self_vec])
        idx_v[r, :] = jnp.where(bg == bi, e, self_vec)
        return carry

    lax.fori_loop(0, ROWS, body, 0)
    pltpu.sync_copy(idx_v, idx_hbm.at[pl.ds(r0, ROWS)])


def _compute_idx(edges, boundary):
    return pl.kernel(
        _idx_body,
        out_type=jax.ShapeDtypeStruct((N, K), jnp.int32),
        mesh=_sc_mesh(),
        compiler_params=_SC_PARAMS,
        scratch_types=[
            pltpu.VMEM((N,), jnp.int32),
            pltpu.VMEM((ROWS, K), jnp.int32),
            pltpu.VMEM((ROWS, K), jnp.int32),
        ],
    )(edges, boundary)


GCH = 384
GNCH = 66
GLAST = NBT - GCH
NSLOT = 3


def _make_gather_body(widths):
    nt = len(widths)

    def body(*refs):
        idx_hbm = refs[0]
        tables = refs[1:1 + nt]
        outs = refs[1 + nt:1 + 2 * nt]
        idx_v = refs[1 + 2 * nt]
        bufs = refs[2 + 2 * nt:2 + 2 * nt + NSLOT * nt]
        gsems = refs[2 + 2 * nt + NSLOT * nt:2 + 2 * nt + 2 * NSLOT * nt]
        ssems = refs[2 + 2 * nt + 2 * NSLOT * nt:]
        w = lax.axis_index("s") * 2 + lax.axis_index("c")
        r0 = jnp.minimum(w * ROWS, RLAST)
        b0 = r0 * K
        pltpu.sync_copy(idx_hbm.at[pl.ds(b0, NBT)], idx_v)

        def off(c):
            return jnp.minimum(c * GCH, GLAST)

        def g_issue(c, slot):
            ix = idx_v.at[pl.ds(off(c), GCH)]
            for t in range(nt):
                pltpu.async_copy(tables[t].at[ix], bufs[NSLOT * t + slot],
                                 gsems[NSLOT * t + slot])

        def g_wait(c, slot):
            ix = idx_v.at[pl.ds(off(c), GCH)]
            for t in range(nt):
                pltpu.make_async_copy(tables[t].at[ix],
                                      bufs[NSLOT * t + slot],
                                      gsems[NSLOT * t + slot]).wait()

        def s_issue(c, slot):
            for t in range(nt):
                pltpu.async_copy(bufs[NSLOT * t + slot],
                                 outs[t].at[pl.ds(b0 + off(c), GCH)],
                                 ssems[NSLOT * t + slot])

        def s_wait(c, slot):
            for t in range(nt):
                pltpu.make_async_copy(bufs[NSLOT * t + slot],
                                      outs[t].at[pl.ds(b0 + off(c), GCH)],
                                      ssems[NSLOT * t + slot]).wait()

        g_issue(0, 0)
        g_issue(1, 1)

        def group(i, carry):
            cg = NSLOT * i
            for u in range(NSLOT):
                c = cg + u
                g_wait(c, u)
                s_issue(c, u)

                @pl.when(c >= 1)
                def _():
                    s_wait(c - 1, (u + NSLOT - 1) % NSLOT)

                @pl.when(c + 2 < GNCH)
                def _():
                    g_issue(c + 2, (u + 2) % NSLOT)
            return carry

        lax.fori_loop(0, GNCH // NSLOT, group, 0)
        s_wait(GNCH - 1, (GNCH - 1) % NSLOT)

    return body


def _gather_multi(idx_flat, tables, widths):
    return pl.kernel(
        _make_gather_body(widths),
        out_type=tuple(jax.ShapeDtypeStruct((FLAT, wd), jnp.float32)
                       for wd in widths),
        mesh=_sc_mesh(),
        compiler_params=_SC_PARAMS,
        scratch_types=[pltpu.VMEM((NBT,), jnp.int32)]
        + [pltpu.VMEM((GCH, wd), jnp.float32)
           for wd in widths for _ in range(NSLOT)]
        + [pltpu.SemaphoreType.DMA for _ in widths for _ in range(NSLOT)]
        + [pltpu.SemaphoreType.DMA for _ in widths for _ in range(NSLOT)],
    )(idx_flat, *tables)


_B1 = 2000
_B = 1000


def _qkv_kernel(x_ref, p4_ref, Wq_ref, bq_ref, Wk_ref, bk_ref, Wv_ref, bv_ref,
                pW1p_ref, xq_ref, xk_ref, xv_ref, a_ref):
    x = x_ref[...]
    xq_ref[...] = jnp.dot(x, Wq_ref[...], preferred_element_type=jnp.float32) + bq_ref[...]
    xk_ref[...] = jnp.dot(x, Wk_ref[...], preferred_element_type=jnp.float32) + bk_ref[...]
    xv_ref[...] = jnp.dot(x, Wv_ref[...], preferred_element_type=jnp.float32) + bv_ref[...]
    a_ref[...] = jnp.dot(p4_ref[...], pW1p_ref[...], preferred_element_type=jnp.float32)


def _mm(a, b):
    return jnp.dot(a, b, preferred_element_type=jnp.float32)


def _p_r(ag, a16, t16, s1, t1b, wbd2, pb2t):
    d = ag - _mm(a16, t16)
    h = jnp.maximum(d * s1 + t1b, 0.0)
    return _mm(h, wbd2) + pb2t


def _acc_stats(out_ref, s, q, width):
    @pl.when(pl.program_id(0) == 0)
    def _():
        out_ref[...] = jnp.zeros_like(out_ref)

    out_ref[...] = out_ref[...] + jnp.concatenate(
        [s[None], q[None], jnp.zeros((6, width), jnp.float32)], axis=0)


def _stats1_kernel(ag_ref, a16_ref, t16_ref, out_ref):
    d = ag_ref[...] - _mm(a16_ref[...], t16_ref[...])
    _acc_stats(out_ref, jnp.sum(d, axis=0), jnp.sum(d * d, axis=0), 256)


def _stats2_kernel(xkg_ref, ag_ref, a16_ref, xq_ref, t16_ref, t64_ref,
                   s1_ref, t1b_ref, wbd2_ref, pb2_ref, out_ref):
    pr = _p_r(ag_ref[...], a16_ref[...], t16_ref[...], s1_ref[...],
              t1b_ref[...], wbd2_ref[...], pb2_ref[...])
    wpre = xkg_ref[...] - _mm(xq_ref[...], t64_ref[...]) + pr
    _acc_stats(out_ref, jnp.sum(wpre, axis=0), jnp.sum(wpre * wpre, axis=0),
               16 * C)


def _w1_kernel(xkg_ref, ag_ref, a16_ref, xq_ref, t16_ref, t64_ref, s1_ref,
               t1b_ref, wbd2_ref, pb2_ref, s2_ref, t2_ref, wbd1_ref, wb1_ref,
               w1_ref, out_ref):
    pr = _p_r(ag_ref[...], a16_ref[...], t16_ref[...], s1_ref[...],
              t1b_ref[...], wbd2_ref[...], pb2_ref[...])
    wpre = xkg_ref[...] - _mm(xq_ref[...], t64_ref[...]) + pr
    h = jnp.maximum(wpre * s2_ref[...] + t2_ref[...], 0.0)
    w1 = _mm(h, wbd1_ref[...]) + wb1_ref[...]
    w1_ref[...] = w1
    _acc_stats(out_ref, jnp.sum(w1, axis=0), jnp.sum(w1 * w1, axis=0), 128)


def _final_kernel(w1_ref, xvg_ref, ag_ref, a16_ref, t16_ref, s1_ref, t1b_ref,
                  wbd2_ref, pb2_ref, s3_ref, t3_ref, wbd0_ref, wb2_ref,
                  msum_ref, expand_ref, reduce_ref, out_ref):
    h = jnp.maximum(w1_ref[...] * s3_ref[...] + t3_ref[...], 0.0)
    logit = _mm(h, wbd0_ref[...]) + wb2_ref[...]
    e = jnp.exp(logit)
    se = _mm(e, msum_ref[...])
    att = e / se
    attx = _mm(att, expand_ref[...])
    pr = _p_r(ag_ref[...], a16_ref[...], t16_ref[...], s1_ref[...],
              t1b_ref[...], wbd2_ref[...], pb2_ref[...])
    v = xvg_ref[...] + pr
    out_ref[...] = _mm(v * attx, reduce_ref[...])


def _const_spec(shape):
    return pl.BlockSpec(shape, lambda i: tuple(0 for _ in shape))


def _moments(stats, nch):
    m = jnp.float32(FLAT)
    mu = stats[0].reshape(K, nch).sum(0) / m
    var = jnp.maximum(stats[1].reshape(K, nch).sum(0) / m - mu * mu, 0.0)
    return mu, var


def kernel(p, x, o, edges, boundary, Wq, bq, Wk, bk, Wv, bv, pW1, pb1, pg,
           pbeta, pW2, pb2, wg1, wbeta1, wW1, wb1, wg2, wbeta2, wW2, wb2):
    f32 = jnp.float32
    p4 = jnp.pad(p, ((0, 0), (0, 1)))
    pW1p = jnp.zeros((4, 16), f32).at[:3, :3].set(pW1)

    xq, xk, xv, a16 = pl.pallas_call(
        _qkv_kernel,
        grid=(N // _B1,),
        in_specs=[
            pl.BlockSpec((_B1, C), lambda i: (i, 0)),
            pl.BlockSpec((_B1, 4), lambda i: (i, 0)),
            _const_spec((C, C)), _const_spec((1, C)),
            _const_spec((C, C)), _const_spec((1, C)),
            _const_spec((C, C)), _const_spec((1, C)),
            _const_spec((4, 16)),
        ],
        out_specs=[
            pl.BlockSpec((_B1, C), lambda i: (i, 0)),
            pl.BlockSpec((_B1, C), lambda i: (i, 0)),
            pl.BlockSpec((_B1, C), lambda i: (i, 0)),
            pl.BlockSpec((_B1, 16), lambda i: (i, 0)),
        ],
        out_shape=[
            jax.ShapeDtypeStruct((N, C), f32),
            jax.ShapeDtypeStruct((N, C), f32),
            jax.ShapeDtypeStruct((N, C), f32),
            jax.ShapeDtypeStruct((N, 16), f32),
        ],
    )(x, p4, Wq, bq.reshape(1, C), Wk, bk.reshape(1, C), Wv, bv.reshape(1, C),
      pW1p)

    idx = _compute_idx(edges.astype(jnp.int32), boundary.astype(jnp.int32))

    idx_flat = idx.reshape(FLAT)
    xkg, ag = _gather_multi(idx_flat, (xk, a16), (C, 16))
    (xvg,) = _gather_multi(idx_flat, (xv,), (C,))
    xkg2 = xkg.reshape(N, K * C)
    xvg2 = xvg.reshape(N, K * C)
    ag2 = ag.reshape(N, K * 16)

    eye16 = jnp.eye(16, dtype=f32)
    eye64 = jnp.eye(C, dtype=f32)
    eye8 = jnp.eye(8, dtype=f32)
    t16 = jnp.tile(eye16, (1, K))
    t64 = jnp.tile(eye64, (1, K))
    pW2e = jnp.zeros((16, C), f32).at[:3, :].set(pW2)
    wbd2 = jnp.kron(eye16, pW2e)
    msum = jnp.tile(eye8, (K, K))
    expand = jnp.kron(eye16, jnp.tile(eye8, (1, 8)))
    reduce_m = jnp.tile(eye64, (K, 1))

    grid = (N // _B,)

    st1 = pl.pallas_call(
        _stats1_kernel,
        grid=grid,
        in_specs=[
            pl.BlockSpec((_B, K * 16), lambda i: (i, 0)),
            pl.BlockSpec((_B, 16), lambda i: (i, 0)),
            _const_spec((16, K * 16)),
        ],
        out_specs=pl.BlockSpec((8, K * 16), lambda i: (0, 0)),
        out_shape=jax.ShapeDtypeStruct((8, K * 16), f32),
    )(ag2, a16, t16)
    mu1, var1 = _moments(st1, 16)
    lane3 = jnp.arange(16) < 3
    pg16 = jnp.zeros((16,), f32).at[:3].set(pg)
    pbeta16 = jnp.zeros((16,), f32).at[:3].set(pbeta)
    s1 = jnp.where(lane3, pg16 / jnp.sqrt(var1 + 1e-5), 0.0)
    t1b = jnp.where(lane3, pbeta16 - mu1 * s1, 0.0)
    s1c = jnp.tile(s1, K).reshape(1, K * 16)
    t1c = jnp.tile(t1b, K).reshape(1, K * 16)
    pb2t = jnp.tile(pb2, K).reshape(1, K * C)

    st2 = pl.pallas_call(
        _stats2_kernel,
        grid=grid,
        in_specs=[
            pl.BlockSpec((_B, K * C), lambda i: (i, 0)),
            pl.BlockSpec((_B, K * 16), lambda i: (i, 0)),
            pl.BlockSpec((_B, 16), lambda i: (i, 0)),
            pl.BlockSpec((_B, C), lambda i: (i, 0)),
            _const_spec((16, K * 16)), _const_spec((C, K * C)),
            _const_spec((1, K * 16)), _const_spec((1, K * 16)),
            _const_spec((K * 16, K * C)), _const_spec((1, K * C)),
        ],
        out_specs=pl.BlockSpec((8, K * C), lambda i: (0, 0)),
        out_shape=jax.ShapeDtypeStruct((8, K * C), f32),
    )(xkg2, ag2, a16, xq, t16, t64, s1c, t1c, wbd2, pb2t)
    mu2, var2 = _moments(st2, C)
    s2 = wg1 / jnp.sqrt(var2 + 1e-5)
    t2 = wbeta1 - mu2 * s2

    wbd1 = jnp.kron(eye16, wW1)
    w1, st3 = pl.pallas_call(
        _w1_kernel,
        grid=grid,
        in_specs=[
            pl.BlockSpec((_B, K * C), lambda i: (i, 0)),
            pl.BlockSpec((_B, K * 16), lambda i: (i, 0)),
            pl.BlockSpec((_B, 16), lambda i: (i, 0)),
            pl.BlockSpec((_B, C), lambda i: (i, 0)),
            _const_spec((16, K * 16)), _const_spec((C, K * C)),
            _const_spec((1, K * 16)), _const_spec((1, K * 16)),
            _const_spec((K * 16, K * C)), _const_spec((1, K * C)),
            _const_spec((1, K * C)), _const_spec((1, K * C)),
            _const_spec((K * C, 128)), _const_spec((1, 128)),
        ],
        out_specs=[
            pl.BlockSpec((_B, 128), lambda i: (i, 0)),
            pl.BlockSpec((8, 128), lambda i: (0, 0)),
        ],
        out_shape=[
            jax.ShapeDtypeStruct((N, 128), f32),
            jax.ShapeDtypeStruct((8, 128), f32),
        ],
    )(xkg2, ag2, a16, xq, t16, t64, s1c, t1c, wbd2, pb2t,
      jnp.tile(s2, K).reshape(1, K * C), jnp.tile(t2, K).reshape(1, K * C),
      wbd1, jnp.tile(wb1, K).reshape(1, 128))
    mu3, var3 = _moments(st3, 8)
    s3 = wg2 / jnp.sqrt(var3 + 1e-5)
    t3 = wbeta2 - mu3 * s3

    wbd0 = jnp.kron(eye16, wW2)
    out = pl.pallas_call(
        _final_kernel,
        grid=grid,
        in_specs=[
            pl.BlockSpec((_B, 128), lambda i: (i, 0)),
            pl.BlockSpec((_B, K * C), lambda i: (i, 0)),
            pl.BlockSpec((_B, K * 16), lambda i: (i, 0)),
            pl.BlockSpec((_B, 16), lambda i: (i, 0)),
            _const_spec((16, K * 16)),
            _const_spec((1, K * 16)), _const_spec((1, K * 16)),
            _const_spec((K * 16, K * C)), _const_spec((1, K * C)),
            _const_spec((1, 128)), _const_spec((1, 128)),
            _const_spec((128, 128)), _const_spec((1, 128)),
            _const_spec((128, 128)), _const_spec((128, K * C)),
            _const_spec((K * C, C)),
        ],
        out_specs=pl.BlockSpec((_B, C), lambda i: (i, 0)),
        out_shape=jax.ShapeDtypeStruct((N, C), f32),
    )(w1, xvg2, ag2, a16, t16, s1c, t1c, wbd2, pb2t,
      jnp.tile(s3, K).reshape(1, 128), jnp.tile(t3, K).reshape(1, 128),
      wbd0, jnp.tile(wb2, K).reshape(1, 128), msum, expand, reduce_m)
    return out

# --- scband reference (transcript-rebuilt; emitter-appended) ---
"""Pipeline reference for scband-boundary-transformer-layer-1623497638699 (READ-ONLY COPY).

The authoritative reference and input builder live on the scoring server;
editing this copy changes nothing except your own understanding.
"""

import jax, jax.numpy as jnp
import numpy as np

N = 50000
C_IN = 64
C_OUT = 64
MID = 64
SHARE = 8
NSAMPLE = 16


def _bn(t, gamma, beta, eps=1e-5):
    # BatchNorm1d in training mode over (N, C, L): stats over axes (0, 2)
    mean = jnp.mean(t, axis=(0, 2), keepdims=True)
    var = jnp.var(t, axis=(0, 2), keepdims=True)
    tn = (t - mean) / jnp.sqrt(var + eps)
    return gamma.reshape(1, -1, 1) * tn + beta.reshape(1, -1, 1)


def _forward(p, x, Wq, bq, Wk, bk, Wv, bv, pW1, pb1, pg, pbeta, pW2, pb2, wg1, wbeta1, wW1, wb1, wg2, wbeta2, wW2, wb2, edges, boundary):
    n = x.shape[0]
    x_q = x @ Wq + bq
    x_k = x @ Wk + bk
    x_v = x @ Wv + bv
    # boundary-aware neighbor query: keep candidate edge j for point i only if
    # boundary labels match; otherwise fall back to the point itself (self-loop)
    self_idx = jnp.arange(n, dtype=edges.dtype)[:, None]
    same = boundary[edges] == boundary[:, None]
    idx = jnp.where(same, edges, self_idx)  # (n, nsample)
    grouped_xyz = jnp.take(p, idx, axis=0) - p[:, None, :]  # (n, ns, 3)
    xk_g = jnp.take(x_k, idx, axis=0)  # (n, ns, mid)
    xv_g = jnp.take(x_v, idx, axis=0)  # (n, ns, out)
    # linear_p: Linear(3,3) -> BN(3) (transposed) -> ReLU -> Linear(3,out)
    p_r = grouped_xyz @ pW1 + pb1
    p_r = jnp.transpose(_bn(jnp.transpose(p_r, (0, 2, 1)), pg, pbeta), (0, 2, 1))
    p_r = jax.nn.relu(p_r)
    p_r = p_r @ pW2 + pb2  # (n, ns, out)
    w = xk_g - x_q[:, None, :] + p_r.reshape(n, NSAMPLE, C_OUT // MID, MID).sum(2)
    # linear_w: BN(mid) -> ReLU -> Linear(mid, mid//s) -> BN(mid//s) -> ReLU -> Linear(out//s, out//s)
    w = jnp.transpose(_bn(jnp.transpose(w, (0, 2, 1)), wg1, wbeta1), (0, 2, 1))
    w = jax.nn.relu(w)
    w = w @ wW1 + wb1
    w = jnp.transpose(_bn(jnp.transpose(w, (0, 2, 1)), wg2, wbeta2), (0, 2, 1))
    w = jax.nn.relu(w)
    w = w @ wW2 + wb2
    w = jax.nn.softmax(w, axis=1)  # softmax over nsample
    out = ((xv_g + p_r).reshape(n, NSAMPLE, SHARE, C_OUT // SHARE) * w[:, :, None, :]).sum(1).reshape(n, C_OUT)
    return out


def setup_inputs(seed: int = 0):
    key = jax.random.key(seed)
    ks = jax.random.split(key, 16)

    def rn(k, shape, scale=0.05):
        return jax.random.normal(k, shape, dtype=jnp.float32) * scale

    inp = {}
    inp["p"] = jax.random.uniform(ks[0], (N, 3), dtype=jnp.float32)
    inp["x"] = jax.random.normal(ks[1], (N, C_IN), dtype=jnp.float32)
    inp["o"] = jnp.array([N], dtype=jnp.int32)
    inp["edges"] = jax.random.randint(ks[2], (N, NSAMPLE), 0, N)
    inp["boundary"] = jax.random.randint(ks[3], (N,), 0, 2)
    inp["Wq"] = rn(ks[4], (C_IN, MID)); inp["bq"] = jnp.zeros((MID,), jnp.float32)
    inp["Wk"] = rn(ks[5], (C_IN, MID)); inp["bk"] = jnp.zeros((MID,), jnp.float32)
    inp["Wv"] = rn(ks[6], (C_IN, C_OUT)); inp["bv"] = jnp.zeros((C_OUT,), jnp.float32)
    inp["pW1"] = rn(ks[7], (3, 3)); inp["pb1"] = jnp.zeros((3,), jnp.float32)
    inp["pg"] = jnp.ones((3,), jnp.float32); inp["pbeta"] = jnp.zeros((3,), jnp.float32)
    inp["pW2"] = rn(ks[8], (3, C_OUT)); inp["pb2"] = jnp.zeros((C_OUT,), jnp.float32)
    inp["wg1"] = jnp.ones((MID,), jnp.float32); inp["wbeta1"] = jnp.zeros((MID,), jnp.float32)
    inp["wW1"] = rn(ks[9], (MID, MID // SHARE)); inp["wb1"] = jnp.zeros((MID // SHARE,), jnp.float32)
    inp["wg2"] = jnp.ones((MID // SHARE,), jnp.float32); inp["wbeta2"] = jnp.zeros((MID // SHARE,), jnp.float32)
    inp["wW2"] = rn(ks[10], (C_OUT // SHARE, C_OUT // SHARE)); inp["wb2"] = jnp.zeros((C_OUT // SHARE,), jnp.float32)
    return inp


def reference(p, x, o, edges, boundary, Wq, bq, Wk, bk, Wv, bv, pW1, pb1, pg, pbeta, pW2, pb2, wg1, wbeta1, wW1, wb1, wg2, wbeta2, wW2, wb2):
    # o (batch offsets) only affects the native boundaryquery CUDA op; single batch here
    return _forward(p, x, Wq, bq, Wk, bk, Wv, bv, pW1, pb1, pg, pbeta, pW2, pb2, wg1, wbeta1, wW1, wb1, wg2, wbeta2, wW2, wb2, edges, boundary)

if __name__ == "__main__":
    import jax
    _d = setup_inputs()
    print(jax.jit(kernel)(*tuple(_d.values())))

</pallas_src>

<mosaic_0001>
#map = affine_map<(d0, d1) -> (0, 0)>
#map1 = affine_map<(d0, d1) -> (0)>
module attributes {stable_mosaic.version = 14 : i64} {
  func.func @_idx_body(%arg0: i32, %arg1: i32, %arg2: memref<50000x16xi32, #tpu.memory_space<hbm>>, %arg3: memref<50000xi32, #tpu.memory_space<hbm>>, %arg4: memref<50000x16xi32, #tpu.memory_space<hbm>>, %arg5: memref<50000xi32, #tpu.memory_space<vmem>>, %arg6: memref<1568x16xi32, #tpu.memory_space<vmem>>, %arg7: memref<1568x16xi32, #tpu.memory_space<vmem>>) attributes {dimension_semantics = [#tpu.dimension_semantics<core_parallel>, #tpu.dimension_semantics<subcore_parallel>], iteration_bounds = array<i64: 2, 16>, scalar_prefetch = 0 : i64, scratch_operands = 3 : i64, tpu.core_type = #tpu.core_type<sc_vector_subcore>, window_params = [{transform_indices = #map}, {transform_indices = #map1}, {transform_indices = #map}]} {
    %mul3A = arith.constant 2 : i32
    %mul3A_0 = arith.muli %arg1, %mul3A : i32
    %add3A = arith.addi %mul3A_0, %arg0 : i32
    %mul3A_1 = arith.constant 1568 : i32
    %mul3A_2 = arith.muli %add3A, %mul3A_1 : i32
    %min3A = arith.constant 48432 : i32
    %min3A_3 = arith.minsi %mul3A_2, %min3A : i32
    "tpu.region"() ({
      %run_scoped3A = tpu.sem_alloc : memref<!tpu.dma_semaphore, #tpu.memory_space<semaphore_mem>>
      tpu.enqueue_dma source(%arg3 : memref<50000xi32, #tpu.memory_space<hbm>>) target(%arg5 : memref<50000xi32, #tpu.memory_space<vmem>>) target_semaphore(%run_scoped3A : memref<!tpu.dma_semaphore, #tpu.memory_space<semaphore_mem>>)
      tpu.wait_dma2 semaphore(%run_scoped3A : memref<!tpu.dma_semaphore, #tpu.memory_space<semaphore_mem>>) src(%arg3 : memref<50000xi32, #tpu.memory_space<hbm>>) dst(%arg5 : memref<50000xi32, #tpu.memory_space<vmem>>)
      tpu.yield
    }) : () -> ()
    "tpu.region"() ({
      %run_scoped3A = tpu.sem_alloc : memref<!tpu.dma_semaphore, #tpu.memory_space<semaphore_mem>>
      %dma_start3A = arith.constant 0 : i32
      %dma_start3A_9 = tpu.memref_slice %arg2[%min3A_3, %dma_start3A] : memref<50000x16xi32, #tpu.memory_space<hbm>> -> memref<1568x16xi32, #tpu.memory_space<hbm>>
      %dma_start3A_10 = arith.constant 0 : i32
      %dma_start3A_11 = tpu.memref_slice %arg2[%min3A_3, %dma_start3A_10] : memref<50000x16xi32, #tpu.memory_space<hbm>> -> memref<1568x16xi32, #tpu.memory_space<hbm>>
      tpu.enqueue_dma source(%dma_start3A_11 : memref<1568x16xi32, #tpu.memory_space<hbm>>) target(%arg6 : memref<1568x16xi32, #tpu.memory_space<vmem>>) target_semaphore(%run_scoped3A : memref<!tpu.dma_semaphore, #tpu.memory_space<semaphore_mem>>)
      %dma_wait3A = arith.constant 0 : i32
      %dma_wait3A_12 = tpu.memref_slice %arg2[%min3A_3, %dma_wait3A] : memref<50000x16xi32, #tpu.memory_space<hbm>> -> memref<1568x16xi32, #tpu.memory_space<hbm>>
      %dma_wait3A_13 = arith.constant 0 : i32
      %dma_wait3A_14 = tpu.memref_slice %arg2[%min3A_3, %dma_wait3A_13] : memref<50000x16xi32, #tpu.memory_space<hbm>> -> memref<1568x16xi32, #tpu.memory_space<hbm>>
      tpu.wait_dma2 semaphore(%run_scoped3A : memref<!tpu.dma_semaphore, #tpu.memory_space<semaphore_mem>>) src(%dma_wait3A_14 : memref<1568x16xi32, #tpu.memory_space<hbm>>) dst(%arg6 : memref<1568x16xi32, #tpu.memory_space<vmem>>)
      tpu.yield
    }) : () -> ()
    %scan3A = arith.constant 0 : i32
    %scan3A_4 = arith.constant 0 : i32
    %scan3A_5 = arith.constant 1568 : i32
    %scan3A_6 = arith.addi %scan3A_4, %scan3A_5 : i32
    %scan3A_7 = arith.constant 1 : i32
    scf.for %scan3A_9 = %scan3A_4 to %scan3A_6 step %scan3A_7  : i32 {
      %get3A = arith.index_cast %scan3A_9 : i32 to index
      %get3A_10 = arith.constant 0 : index
      %get3A_11 = tpu.vector_load %arg6[%get3A, %get3A_10] {strides = array<i32>} : memref<1568x16xi32, #tpu.memory_space<vmem>>, vector<16xi32>,
      %gather3A = tpu.vector_load_idx %arg5[%get3A_11] : memref<50000xi32, #tpu.memory_space<vmem>>[vector<16xi32>], vector<16xi32>,
      %add3A_12 = arith.addi %min3A_3, %scan3A_9 : i32
      %broadcast_in_dim3A = vector.broadcast %add3A_12 : i32 to vector<16xi32>
      %gather3A_13 = tpu.vector_load_idx %arg5[%broadcast_in_dim3A] : memref<50000xi32, #tpu.memory_space<vmem>>[vector<16xi32>], vector<16xi32>,
      %eq3A = arith.cmpi eq, %gather3A, %gather3A_13 : vector<16xi32>
      %select_n3A = arith.select %eq3A, %get3A_11, %broadcast_in_dim3A : vector<16xi1>, vector<16xi32>
      %swap3A = arith.index_cast %scan3A_9 : i32 to index
      %swap3A_14 = arith.constant 0 : index
      %swap3A_15 = tpu.vector_load %arg7[%swap3A, %swap3A_14] {strides = array<i32>} : memref<1568x16xi32, #tpu.memory_space<vmem>>, vector<16xi32>,
      tpu.vector_store %arg7[%swap3A, %swap3A_14], %select_n3A {strides = array<i32>} : memref<1568x16xi32, #tpu.memory_space<vmem>>, vector<16xi32>,
    }
    %scan3A_8 = arith.constant 1568 : i32
    "tpu.region"() ({
      %run_scoped3A = tpu.sem_alloc : memref<!tpu.dma_semaphore, #tpu.memory_space<semaphore_mem>>
      %dma_start3A = arith.constant 0 : i32
      %dma_start3A_9 = tpu.memref_slice %arg4[%min3A_3, %dma_start3A] : memref<50000x16xi32, #tpu.memory_space<hbm>> -> memref<1568x16xi32, #tpu.memory_space<hbm>>
      %dma_start3A_10 = arith.constant 0 : i32
      %dma_start3A_11 = tpu.memref_slice %arg4[%min3A_3, %dma_start3A_10] : memref<50000x16xi32, #tpu.memory_space<hbm>> -> memref<1568x16xi32, #tpu.memory_space<hbm>>
      tpu.enqueue_dma source(%arg7 : memref<1568x16xi32, #tpu.memory_space<vmem>>) target(%dma_start3A_11 : memref<1568x16xi32, #tpu.memory_space<hbm>>) target_semaphore(%run_scoped3A : memref<!tpu.dma_semaphore, #tpu.memory_space<semaphore_mem>>)
      %dma_wait3A = arith.constant 0 : i32
      %dma_wait3A_12 = tpu.memref_slice %arg4[%min3A_3, %dma_wait3A] : memref<50000x16xi32, #tpu.memory_space<hbm>> -> memref<1568x16xi32, #tpu.memory_space<hbm>>
      %dma_wait3A_13 = arith.constant 0 : i32
      %dma_wait3A_14 = tpu.memref_slice %arg4[%min3A_3, %dma_wait3A_13] : memref<50000x16xi32, #tpu.memory_space<hbm>> -> memref<1568x16xi32, #tpu.memory_space<hbm>>
      tpu.wait_dma2 semaphore(%run_scoped3A : memref<!tpu.dma_semaphore, #tpu.memory_space<semaphore_mem>>) src(%arg7 : memref<1568x16xi32, #tpu.memory_space<vmem>>) dst(%dma_wait3A_14 : memref<1568x16xi32, #tpu.memory_space<hbm>>)
      tpu.yield
    }) : () -> ()
    return
  }
}

#map = affine_map<(d0, d1) -> (0)>
#map1 = affine_map<(d0, d1) -> (0, 0)>
module attributes {stable_mosaic.version = 14 : i64} {
  func.func @body(%arg0: i32, %arg1: i32, %arg2: memref<800000xi32, #tpu.memory_space<hbm>>, %arg3: memref<50000x64xf32, #tpu.memory_space<hbm>>, %arg4: memref<50000x16xf32, #tpu.memory_space<hbm>>, %arg5: memref<800000x64xf32, #tpu.memory_space<hbm>>, %arg6: memref<800000x16xf32, #tpu.memory_space<hbm>>, %arg7: memref<25088xi32, #tpu.memory_space<vmem>>, %arg8: memref<384x64xf32, #tpu.memory_space<vmem>>, %arg9: memref<384x64xf32, #tpu.memory_space<vmem>>, %arg10: memref<384x64xf32, #tpu.memory_space<vmem>>, %arg11: memref<384x16xf32, #tpu.memory_space<vmem>>, %arg12: memref<384x16xf32, #tpu.memory_space<vmem>>, %arg13: memref<384x16xf32, #tpu.memory_space<vmem>>, %arg14: memref<!tpu.dma_semaphore, #tpu.memory_space<semaphore_mem>>, %arg15: memref<!tpu.dma_semaphore, #tpu.memory_space<semaphore_mem>>, %arg16: memref<!tpu.dma_semaphore, #tpu.memory_space<semaphore_mem>>, %arg17: memref<!tpu.dma_semaphore, #tpu.memory_space<semaphore_mem>>, %arg18: memref<!tpu.dma_semaphore, #tpu.memory_space<semaphore_mem>>, %arg19: memref<!tpu.dma_semaphore, #tpu.memory_space<semaphore_mem>>, %arg20: memref<!tpu.dma_semaphore, #tpu.memory_space<semaphore_mem>>, %arg21: memref<!tpu.dma_semaphore, #tpu.memory_space<semaphore_mem>>, %arg22: memref<!tpu.dma_semaphore, #tpu.memory_space<semaphore_mem>>, %arg23: memref<!tpu.dma_semaphore, #tpu.memory_space<semaphore_mem>>, %arg24: memref<!tpu.dma_semaphore, #tpu.memory_space<semaphore_mem>>, %arg25: memref<!tpu.dma_semaphore, #tpu.memory_space<semaphore_mem>>) attributes {dimension_semantics = [#tpu.dimension_semantics<core_parallel>, #tpu.dimension_semantics<subcore_parallel>], iteration_bounds = array<i64: 2, 16>, scalar_prefetch = 0 : i64, scratch_operands = 19 : i64, tpu.core_type = #tpu.core_type<sc_vector_subcore>, window_params = [{transform_indices = #map}, {transform_indices = #map1}, {transform_indices = #map1}, {transform_indices = #map1}, {transform_indices = #map1}]} {
    %mul3A = arith.constant 2 : i32
    %mul3A_0 = arith.muli %arg1, %mul3A : i32
    %add3A = arith.addi %mul3A_0, %arg0 : i32
    %mul3A_1 = arith.constant 1568 : i32
    %mul3A_2 = arith.muli %add3A, %mul3A_1 : i32
    %min3A = arith.constant 48432 : i32
    %min3A_3 = arith.minsi %mul3A_2, %min3A : i32
    %mul3A_4 = arith.constant 16 : i32
    %mul3A_5 = arith.muli %min3A_3, %mul3A_4 : i32
    "tpu.region"() ({
      %run_scoped3A = tpu.sem_alloc : memref<!tpu.dma_semaphore, #tpu.memory_space<semaphore_mem>>
      %dma_start3A_47 = tpu.memref_slice %arg2[%mul3A_5] : memref<800000xi32, #tpu.memory_space<hbm>> -> memref<25088xi32, #tpu.memory_space<hbm>>
      %dma_start3A_48 = tpu.memref_slice %arg2[%mul3A_5] : memref<800000xi32, #tpu.memory_space<hbm>> -> memref<25088xi32, #tpu.memory_space<hbm>>
      tpu.enqueue_dma source(%dma_start3A_48 : memref<25088xi32, #tpu.memory_space<hbm>>) target(%arg7 : memref<25088xi32, #tpu.memory_space<vmem>>) target_semaphore(%run_scoped3A : memref<!tpu.dma_semaphore, #tpu.memory_space<semaphore_mem>>)
      %dma_wait3A_49 = tpu.memref_slice %arg2[%mul3A_5] : memref<800000xi32, #tpu.memory_space<hbm>> -> memref<25088xi32, #tpu.memory_space<hbm>>
      %dma_wait3A_50 = tpu.memref_slice %arg2[%mul3A_5] : memref<800000xi32, #tpu.memory_space<hbm>> -> memref<25088xi32, #tpu.memory_space<hbm>>
      tpu.wait_dma2 semaphore(%run_scoped3A : memref<!tpu.dma_semaphore, #tpu.memory_space<semaphore_mem>>) src(%dma_wait3A_50 : memref<25088xi32, #tpu.memory_space<hbm>>) dst(%arg7 : memref<25088xi32, #tpu.memory_space<vmem>>)
      tpu.yield
    }) : () -> ()
    %min3A_6 = arith.constant 0 : i32
    %min3A_7 = arith.constant 24704 : i32
    %min3A_8 = arith.minsi %min3A_6, %min3A_7 : i32
    %dma_start3A = tpu.memref_slice %arg7[%min3A_8] : memref<25088xi32, #tpu.memory_space<vmem>> -> memref<384xi32, #tpu.memory_space<vmem>>
    %dma_start3A_9 = arith.constant 0 : i32
    %dma_start3A_10 = arith.constant 0 : i32
    %dma_start3A_11 = tpu.memref_slice %arg3[%dma_start3A_9, %dma_start3A_10] : memref<50000x64xf32, #tpu.memory_space<hbm>> -> memref<50000x64xf32, #tpu.memory_space<hbm>>
    tpu.enqueue_indirect_dma source(%dma_start3A_11 : memref<50000x64xf32, #tpu.memory_space<hbm>>) target(%arg8 : memref<384x64xf32, #tpu.memory_space<vmem>>) offsets(%dma_start3A : memref<384xi32, #tpu.memory_space<vmem>>) semaphore(%arg14 : memref<!tpu.dma_semaphore, #tpu.memory_space<semaphore_mem>>)
    %dma_start3A_12 = tpu.memref_slice %arg7[%min3A_8] : memref<25088xi32, #tpu.memory_space<vmem>> -> memref<384xi32, #tpu.memory_space<vmem>>
    %dma_start3A_13 = arith.constant 0 : i32
    %dma_start3A_14 = arith.constant 0 : i32
    %dma_start3A_15 = tpu.memref_slice %arg4[%dma_start3A_13, %dma_start3A_14] : memref<50000x16xf32, #tpu.memory_space<hbm>> -> memref<50000x16xf32, #tpu.memory_space<hbm>>
    tpu.enqueue_indirect_dma source(%dma_start3A_15 : memref<50000x16xf32, #tpu.memory_space<hbm>>) target(%arg11 : memref<384x16xf32, #tpu.memory_space<vmem>>) offsets(%dma_start3A_12 : memref<384xi32, #tpu.memory_space<vmem>>) semaphore(%arg17 : memref<!tpu.dma_semaphore, #tpu.memory_space<semaphore_mem>>)
    %min3A_16 = arith.constant 384 : i32
    %min3A_17 = arith.constant 24704 : i32
    %min3A_18 = arith.minsi %min3A_16, %min3A_17 : i32
    %dma_start3A_19 = tpu.memref_slice %arg7[%min3A_18] : memref<25088xi32, #tpu.memory_space<vmem>> -> memref<384xi32, #tpu.memory_space<vmem>>
    %dma_start3A_20 = arith.constant 0 : i32
    %dma_start3A_21 = arith.constant 0 : i32
    %dma_start3A_22 = tpu.memref_slice %arg3[%dma_start3A_20, %dma_start3A_21] : memref<50000x64xf32, #tpu.memory_space<hbm>> -> memref<50000x64xf32, #tpu.memory_space<hbm>>
    tpu.enqueue_indirect_dma source(%dma_start3A_22 : memref<50000x64xf32, #tpu.memory_space<hbm>>) target(%arg9 : memref<384x64xf32, #tpu.memory_space<vmem>>) offsets(%dma_start3A_19 : memref<384xi32, #tpu.memory_space<vmem>>) semaphore(%arg15 : memref<!tpu.dma_semaphore, #tpu.memory_space<semaphore_mem>>)
    %dma_start3A_23 = tpu.memref_slice %arg7[%min3A_18] : memref<25088xi32, #tpu.memory_space<vmem>> -> memref<384xi32, #tpu.memory_space<vmem>>
    %dma_start3A_24 = arith.constant 0 : i32
    %dma_start3A_25 = arith.constant 0 : i32
    %dma_start3A_26 = tpu.memref_slice %arg4[%dma_start3A_24, %dma_start3A_25] : memref<50000x16xf32, #tpu.memory_space<hbm>> -> memref<50000x16xf32, #tpu.memory_space<hbm>>
    tpu.enqueue_indirect_dma source(%dma_start3A_26 : memref<50000x16xf32, #tpu.memory_space<hbm>>) target(%arg12 : memref<384x16xf32, #tpu.memory_space<vmem>>) offsets(%dma_start3A_23 : memref<384xi32, #tpu.memory_space<vmem>>) semaphore(%arg18 : memref<!tpu.dma_semaphore, #tpu.memory_space<semaphore_mem>>)
    %scan3A = arith.constant 0 : i32
    %scan3A_27 = arith.constant 0 : i32
    %scan3A_28 = arith.constant 22 : i32
    %scan3A_29 = arith.addi %scan3A_27, %scan3A_28 : i32
    %scan3A_30 = arith.constant 1 : i32
    scf.for %scan3A_47 = %scan3A_27 to %scan3A_29 step %scan3A_30  : i32 {
      %mul3A_48 = arith.constant 3 : i32
      %mul3A_49 = arith.muli %mul3A_48, %scan3A_47 : i32
      %add3A_50 = arith.constant 0 : i32
      %add3A_51 = arith.addi %mul3A_49, %add3A_50 : i32
      %mul3A_52 = arith.constant 384 : i32
      %mul3A_53 = arith.muli %add3A_51, %mul3A_52 : i32
      %min3A_54 = arith.constant 24704 : i32
      %min3A_55 = arith.minsi %mul3A_53, %min3A_54 : i32
      %dma_wait3A_56 = tpu.memref_slice %arg7[%min3A_55] : memref<25088xi32, #tpu.memory_space<vmem>> -> memref<384xi32, #tpu.memory_space<vmem>>
      %dma_wait3A_57 = arith.constant 0 : i32
      %dma_wait3A_58 = arith.constant 0 : i32
      %dma_wait3A_59 = tpu.memref_slice %arg3[%dma_wait3A_57, %dma_wait3A_58] : memref<50000x64xf32, #tpu.memory_space<hbm>> -> memref<50000x64xf32, #tpu.memory_space<hbm>>
      tpu.wait_indirect_dma semaphore(%arg14 : memref<!tpu.dma_semaphore, #tpu.memory_space<semaphore_mem>>) src(%dma_wait3A_59 : memref<50000x64xf32, #tpu.memory_space<hbm>>) dst(%arg8 : memref<384x64xf32, #tpu.memory_space<vmem>>)
      %dma_wait3A_60 = tpu.memref_slice %arg7[%min3A_55] : memref<25088xi32, #tpu.memory_space<vmem>> -> memref<384xi32, #tpu.memory_space<vmem>>
      %dma_wait3A_61 = arith.constant 0 : i32
      %dma_wait3A_62 = arith.constant 0 : i32
      %dma_wait3A_63 = tpu.memref_slice %arg4[%dma_wait3A_61, %dma_wait3A_62] : memref<50000x16xf32, #tpu.memory_space<hbm>> -> memref<50000x16xf32, #tpu.memory_space<hbm>>
      tpu.wait_indirect_dma semaphore(%arg17 : memref<!tpu.dma_semaphore, #tpu.memory_space<semaphore_mem>>) src(%dma_wait3A_63 : memref<50000x16xf32, #tpu.memory_space<hbm>>) dst(%arg11 : memref<384x16xf32, #tpu.memory_space<vmem>>)
      %mul3A_64 = arith.constant 384 : i32
      %mul3A_65 = arith.muli %add3A_51, %mul3A_64 : i32
      %min3A_66 = arith.constant 24704 : i32
      %min3A_67 = arith.minsi %mul3A_65, %min3A_66 : i32
      %add3A_68 = arith.addi %mul3A_5, %min3A_67 : i32
      %dma_start3A_69 = arith.constant 0 : i32
      %dma_start3A_70 = tpu.memref_slice %arg5[%add3A_68, %dma_start3A_69] : memref<800000x64xf32, #tpu.memory_space<hbm>> -> memref<384x64xf32, #tpu.memory_space<hbm>>
      %dma_start3A_71 = arith.constant 0 : i32
      %dma_start3A_72 = tpu.memref_slice %arg5[%add3A_68, %dma_start3A_71] : memref<800000x64xf32, #tpu.memory_space<hbm>> -> memref<384x64xf32, #tpu.memory_space<hbm>>
      tpu.enqueue_dma source(%arg8 : memref<384x64xf32, #tpu.memory_space<vmem>>) target(%dma_start3A_72 : memref<384x64xf32, #tpu.memory_space<hbm>>) target_semaphore(%arg20 : memref<!tpu.dma_semaphore, #tpu.memory_space<semaphore_mem>>)
      %mul3A_73 = arith.constant 384 : i32
      %mul3A_74 = arith.muli %add3A_51, %mul3A_73 : i32
      %min3A_75 = arith.constant 24704 : i32
      %min3A_76 = arith.minsi %mul3A_74, %min3A_75 : i32
      %add3A_77 = arith.addi %mul3A_5, %min3A_76 : i32
      %dma_start3A_78 = arith.constant 0 : i32
      %dma_start3A_79 = tpu.memref_slice %arg6[%add3A_77, %dma_start3A_78] : memref<800000x16xf32, #tpu.memory_space<hbm>> -> memref<384x16xf32, #tpu.memory_space<hbm>>
      %dma_start3A_80 = arith.constant 0 : i32
      %dma_start3A_81 = tpu.memref_slice %arg6[%add3A_77, %dma_start3A_80] : memref<800000x16xf32, #tpu.memory_space<hbm>> -> memref<384x16xf32, #tpu.memory_space<hbm>>
      tpu.enqueue_dma source(%arg11 : memref<384x16xf32, #tpu.memory_space<vmem>>) target(%dma_start3A_81 : memref<384x16xf32, #tpu.memory_space<hbm>>) target_semaphore(%arg23 : memref<!tpu.dma_semaphore, #tpu.memory_space<semaphore_mem>>)
      %ge3A = arith.constant 1 : i32
      %ge3A_82 = arith.cmpi sge, %add3A_51, %ge3A : i32
      %convert_element_type3A = arith.extui %ge3A_82 : i1 to i32
      %cond3A = arith.constant 0 : i32
      %cond3A_83 = arith.cmpi ne, %convert_element_type3A, %cond3A : i32
      scf.if %cond3A_83 {
        %sub3A = arith.constant 1 : i32
        %sub3A_178 = arith.subi %add3A_51, %sub3A : i32
        %mul3A_179 = arith.constant 384 : i32
        %mul3A_180 = arith.muli %sub3A_178, %mul3A_179 : i32
        %min3A_181 = arith.constant 24704 : i32
        %min3A_182 = arith.minsi %mul3A_180, %min3A_181 : i32
        %add3A_183 = arith.addi %mul3A_5, %min3A_182 : i32
        %dma_wait3A_184 = arith.constant 0 : i32
        %dma_wait3A_185 = tpu.memref_slice %arg5[%add3A_183, %dma_wait3A_184] : memref<800000x64xf32, #tpu.memory_space<hbm>> -> memref<384x64xf32, #tpu.memory_space<hbm>>
        %dma_wait3A_186 = arith.constant 0 : i32
        %dma_wait3A_187 = tpu.memref_slice %arg5[%add3A_183, %dma_wait3A_186] : memref<800000x64xf32, #tpu.memory_space<hbm>> -> memref<384x64xf32, #tpu.memory_space<hbm>>
        tpu.wait_dma2 semaphore(%arg22 : memref<!tpu.dma_semaphore, #tpu.memory_space<semaphore_mem>>) src(%arg10 : memref<384x64xf32, #tpu.memory_space<vmem>>) dst(%dma_wait3A_187 : memref<384x64xf32, #tpu.memory_space<hbm>>)
        %mul3A_188 = arith.constant 384 : i32
        %mul3A_189 = arith.muli %sub3A_178, %mul3A_188 : i32
        %min3A_190 = arith.constant 24704 : i32
        %min3A_191 = arith.minsi %mul3A_189, %min3A_190 : i32
        %add3A_192 = arith.addi %mul3A_5, %min3A_191 : i32
        %dma_wait3A_193 = arith.constant 0 : i32
        %dma_wait3A_194 = tpu.memref_slice %arg6[%add3A_192, %dma_wait3A_193] : memref<800000x16xf32, #tpu.memory_space<hbm>> -> memref<384x16xf32, #tpu.memory_space<hbm>>
        %dma_wait3A_195 = arith.constant 0 : i32
        %dma_wait3A_196 = tpu.memref_slice %arg6[%add3A_192, %dma_wait3A_195] : memref<800000x16xf32, #tpu.memory_space<hbm>> -> memref<384x16xf32, #tpu.memory_space<hbm>>
        tpu.wait_dma2 semaphore(%arg25 : memref<!tpu.dma_semaphore, #tpu.memory_space<semaphore_mem>>) src(%arg13 : memref<384x16xf32, #tpu.memory_space<vmem>>) dst(%dma_wait3A_196 : memref<384x16xf32, #tpu.memory_space<hbm>>)
      } else {
      }
      %add3A_84 = arith.constant 2 : i32
      %add3A_85 = arith.addi %add3A_51, %add3A_84 : i32
      %lt3A = arith.constant 66 : i32
      %lt3A_86 = arith.cmpi slt, %add3A_85, %lt3A : i32
      %convert_element_type3A_87 = arith.extui %lt3A_86 : i1 to i32
      %cond3A_88 = arith.constant 0 : i32
      %cond3A_89 = arith.cmpi ne, %convert_element_type3A_87, %cond3A_88 : i32
      scf.if %cond3A_89 {
        %add3A_178 = arith.constant 2 : i32
        %add3A_179 = arith.addi %add3A_51, %add3A_178 : i32
        %mul3A_180 = arith.constant 384 : i32
        %mul3A_181 = arith.muli %add3A_179, %mul3A_180 : i32
        %min3A_182 = arith.constant 24704 : i32
        %min3A_183 = arith.minsi %mul3A_181, %min3A_182 : i32
        %dma_start3A_184 = tpu.memref_slice %arg7[%min3A_183] : memref<25088xi32, #tpu.memory_space<vmem>> -> memref<384xi32, #tpu.memory_space<vmem>>
        %dma_start3A_185 = arith.constant 0 : i32
        %dma_start3A_186 = arith.constant 0 : i32
        %dma_start3A_187 = tpu.memref_slice %arg3[%dma_start3A_185, %dma_start3A_186] : memref<50000x64xf32, #tpu.memory_space<hbm>> -> memref<50000x64xf32, #tpu.memory_space<hbm>>
        tpu.enqueue_indirect_dma source(%dma_start3A_187 : memref<50000x64xf32, #tpu.memory_space<hbm>>) target(%arg10 : memref<384x64xf32, #tpu.memory_space<vmem>>) offsets(%dma_start3A_184 : memref<384xi32, #tpu.memory_space<vmem>>) semaphore(%arg16 : memref<!tpu.dma_semaphore, #tpu.memory_space<semaphore_mem>>)
        %dma_start3A_188 = tpu.memref_slice %arg7[%min3A_183] : memref<25088xi32, #tpu.memory_space<vmem>> -> memref<384xi32, #tpu.memory_space<vmem>>
        %dma_start3A_189 = arith.constant 0 : i32
        %dma_start3A_190 = arith.constant 0 : i32
        %dma_start3A_191 = tpu.memref_slice %arg4[%dma_start3A_189, %dma_start3A_190] : memref<50000x16xf32, #tpu.memory_space<hbm>> -> memref<50000x16xf32, #tpu.memory_space<hbm>>
        tpu.enqueue_indirect_dma source(%dma_start3A_191 : memref<50000x16xf32, #tpu.memory_space<hbm>>) target(%arg13 : memref<384x16xf32, #tpu.memory_space<vmem>>) offsets(%dma_start3A_188 : memref<384xi32, #tpu.memory_space<vmem>>) semaphore(%arg19 : memref<!tpu.dma_semaphore, #tpu.memory_space<semaphore_mem>>)
      } else {
      }
      %add3A_90 = arith.constant 1 : i32
      %add3A_91 = arith.addi %mul3A_49, %add3A_90 : i32
      %mul3A_92 = arith.constant 384 : i32
      %mul3A_93 = arith.muli %add3A_91, %mul3A_92 : i32
      %min3A_94 = arith.constant 24704 : i32
      %min3A_95 = arith.minsi %mul3A_93, %min3A_94 : i32
      %dma_wait3A_96 = tpu.memref_slice %arg7[%min3A_95] : memref<25088xi32, #tpu.memory_space<vmem>> -> memref<384xi32, #tpu.memory_space<vmem>>
      %dma_wait3A_97 = arith.constant 0 : i32
      %dma_wait3A_98 = arith.constant 0 : i32
      %dma_wait3A_99 = tpu.memref_slice %arg3[%dma_wait3A_97, %dma_wait3A_98] : memref<50000x64xf32, #tpu.memory_space<hbm>> -> memref<50000x64xf32, #tpu.memory_space<hbm>>
      tpu.wait_indirect_dma semaphore(%arg15 : memref<!tpu.dma_semaphore, #tpu.memory_space<semaphore_mem>>) src(%dma_wait3A_99 : memref<50000x64xf32, #tpu.memory_space<hbm>>) dst(%arg9 : memref<384x64xf32, #tpu.memory_space<vmem>>)
      %dma_wait3A_100 = tpu.memref_slice %arg7[%min3A_95] : memref<25088xi32, #tpu.memory_space<vmem>> -> memref<384xi32, #tpu.memory_space<vmem>>
      %dma_wait3A_101 = arith.constant 0 : i32
      %dma_wait3A_102 = arith.constant 0 : i32
      %dma_wait3A_103 = tpu.memref_slice %arg4[%dma_wait3A_101, %dma_wait3A_102] : memref<50000x16xf32, #tpu.memory_space<hbm>> -> memref<50000x16xf32, #tpu.memory_space<hbm>>
      tpu.wait_indirect_dma semaphore(%arg18 : memref<!tpu.dma_semaphore, #tpu.memory_space<semaphore_mem>>) src(%dma_wait3A_103 : memref<50000x16xf32, #tpu.memory_space<hbm>>) dst(%arg12 : memref<384x16xf32, #tpu.memory_space<vmem>>)
      %mul3A_104 = arith.constant 384 : i32
      %mul3A_105 = arith.muli %add3A_91, %mul3A_104 : i32
      %min3A_106 = arith.constant 24704 : i32
      %min3A_107 = arith.minsi %mul3A_105, %min3A_106 : i32
      %add3A_108 = arith.addi %mul3A_5, %min3A_107 : i32
      %dma_start3A_109 = arith.constant 0 : i32
      %dma_start3A_110 = tpu.memref_slice %arg5[%add3A_108, %dma_start3A_109] : memref<800000x64xf32, #tpu.memory_space<hbm>> -> memref<384x64xf32, #tpu.memory_space<hbm>>
      %dma_start3A_111 = arith.constant 0 : i32
      %dma_start3A_112 = tpu.memref_slice %arg5[%add3A_108, %dma_start3A_111] : memref<800000x64xf32, #tpu.memory_space<hbm>> -> memref<384x64xf32, #tpu.memory_space<hbm>>
      tpu.enqueue_dma source(%arg9 : memref<384x64xf32, #tpu.memory_space<vmem>>) target(%dma_start3A_112 : memref<384x64xf32, #tpu.memory_space<hbm>>) target_semaphore(%arg21 : memref<!tpu.dma_semaphore, #tpu.memory_space<semaphore_mem>>)
      %mul3A_113 = arith.constant 384 : i32
      %mul3A_114 = arith.muli %add3A_91, %mul3A_113 : i32
      %min3A_115 = arith.constant 24704 : i32
      %min3A_116 = arith.minsi %mul3A_114, %min3A_115 : i32
      %add3A_117 = arith.addi %mul3A_5, %min3A_116 : i32
      %dma_start3A_118 = arith.constant 0 : i32
      %dma_start3A_119 = tpu.memref_slice %arg6[%add3A_117, %dma_start3A_118] : memref<800000x16xf32, #tpu.memory_space<hbm>> -> memref<384x16xf32, #tpu.memory_space<hbm>>
      %dma_start3A_120 = arith.constant 0 : i32
      %dma_start3A_121 = tpu.memref_slice %arg6[%add3A_117, %dma_start3A_120] : memref<800000x16xf32, #tpu.memory_space<hbm>> -> memref<384x16xf32, #tpu.memory_space<hbm>>
      tpu.enqueue_dma source(%arg12 : memref<384x16xf32, #tpu.memory_space<vmem>>) target(%dma_start3A_121 : memref<384x16xf32, #tpu.memory_space<hbm>>) target_semaphore(%arg24 : memref<!tpu.dma_semaphore, #tpu.memory_space<semaphore_mem>>)
      %ge3A_122 = arith.constant 1 : i32
      %ge3A_123 = arith.cmpi sge, %add3A_91, %ge3A_122 : i32
      %convert_element_type3A_124 = arith.extui %ge3A_123 : i1 to i32
      %cond3A_125 = arith.constant 0 : i32
      %cond3A_126 = arith.cmpi ne, %convert_element_type3A_124, %cond3A_125 : i32
      scf.if %cond3A_126 {
        %sub3A = arith.constant 1 : i32
        %sub3A_178 = arith.subi %add3A_91, %sub3A : i32
        %mul3A_179 = arith.constant 384 : i32
        %mul3A_180 = arith.muli %sub3A_178, %mul3A_179 : i32
        %min3A_181 = arith.constant 24704 : i32
        %min3A_182 = arith.minsi %mul3A_180, %min3A_181 : i32
        %add3A_183 = arith.addi %mul3A_5, %min3A_182 : i32
        %dma_wait3A_184 = arith.constant 0 : i32
        %dma_wait3A_185 = tpu.memref_slice %arg5[%add3A_183, %dma_wait3A_184] : memref<800000x64xf32, #tpu.memory_space<hbm>> -> memref<384x64xf32, #tpu.memory_space<hbm>>
        %dma_wait3A_186 = arith.constant 0 : i32
        %dma_wait3A_187 = tpu.memref_slice %arg5[%add3A_183, %dma_wait3A_186] : memref<800000x64xf32, #tpu.memory_space<hbm>> -> memref<384x64xf32, #tpu.memory_space<hbm>>
        tpu.wait_dma2 semaphore(%arg20 : memref<!tpu.dma_semaphore, #tpu.memory_space<semaphore_mem>>) src(%arg8 : memref<384x64xf32, #tpu.memory_space<vmem>>) dst(%dma_wait3A_187 : memref<384x64xf32, #tpu.memory_space<hbm>>)
        %mul3A_188 = arith.constant 384 : i32
        %mul3A_189 = arith.muli %sub3A_178, %mul3A_188 : i32
        %min3A_190 = arith.constant 24704 : i32
        %min3A_191 = arith.minsi %mul3A_189, %min3A_190 : i32
        %add3A_192 = arith.addi %mul3A_5, %min3A_191 : i32
        %dma_wait3A_193 = arith.constant 0 : i32
        %dma_wait3A_194 = tpu.memref_slice %arg6[%add3A_192, %dma_wait3A_193] : memref<800000x16xf32, #tpu.memory_space<hbm>> -> memref<384x16xf32, #tpu.memory_space<hbm>>
        %dma_wait3A_195 = arith.constant 0 : i32
        %dma_wait3A_196 = tpu.memref_slice %arg6[%add3A_192, %dma_wait3A_195] : memref<800000x16xf32, #tpu.memory_space<hbm>> -> memref<384x16xf32, #tpu.memory_space<hbm>>
        tpu.wait_dma2 semaphore(%arg23 : memref<!tpu.dma_semaphore, #tpu.memory_space<semaphore_mem>>) src(%arg11 : memref<384x16xf32, #tpu.memory_space<vmem>>) dst(%dma_wait3A_196 : memref<384x16xf32, #tpu.memory_space<hbm>>)
      } else {
      }
      %add3A_127 = arith.constant 2 : i32
      %add3A_128 = arith.addi %add3A_91, %add3A_127 : i32
      %lt3A_129 = arith.constant 66 : i32
      %lt3A_130 = arith.cmpi slt, %add3A_128, %lt3A_129 : i32
      %convert_element_type3A_131 = arith.extui %lt3A_130 : i1 to i32
      %cond3A_132 = arith.constant 0 : i32
      %cond3A_133 = arith.cmpi ne, %convert_element_type3A_131, %cond3A_132 : i32
      scf.if %cond3A_133 {
        %add3A_178 = arith.constant 2 : i32
        %add3A_179 = arith.addi %add3A_91, %add3A_178 : i32
        %mul3A_180 = arith.constant 384 : i32
        %mul3A_181 = arith.muli %add3A_179, %mul3A_180 : i32
        %min3A_182 = arith.constant 24704 : i32
        %min3A_183 = arith.minsi %mul3A_181, %min3A_182 : i32
        %dma_start3A_184 = tpu.memref_slice %arg7[%min3A_183] : memref<25088xi32, #tpu.memory_space<vmem>> -> memref<384xi32, #tpu.memory_space<vmem>>
        %dma_start3A_185 = arith.constant 0 : i32
        %dma_start3A_186 = arith.constant 0 : i32
        %dma_start3A_187 = tpu.memref_slice %arg3[%dma_start3A_185, %dma_start3A_186] : memref<50000x64xf32, #tpu.memory_space<hbm>> -> memref<50000x64xf32, #tpu.memory_space<hbm>>
        tpu.enqueue_indirect_dma source(%dma_start3A_187 : memref<50000x64xf32, #tpu.memory_space<hbm>>) target(%arg8 : memref<384x64xf32, #tpu.memory_space<vmem>>) offsets(%dma_start3A_184 : memref<384xi32, #tpu.memory_space<vmem>>) semaphore(%arg14 : memref<!tpu.dma_semaphore, #tpu.memory_space<semaphore_mem>>)
        %dma_start3A_188 = tpu.memref_slice %arg7[%min3A_183] : memref<25088xi32, #tpu.memory_space<vmem>> -> memref<384xi32, #tpu.memory_space<vmem>>
        %dma_start3A_189 = arith.constant 0 : i32
        %dma_start3A_190 = arith.constant 0 : i32
        %dma_start3A_191 = tpu.memref_slice %arg4[%dma_start3A_189, %dma_start3A_190] : memref<50000x16xf32, #tpu.memory_space<hbm>> -> memref<50000x16xf32, #tpu.memory_space<hbm>>
        tpu.enqueue_indirect_dma source(%dma_start3A_191 : memref<50000x16xf32, #tpu.memory_space<hbm>>) target(%arg11 : memref<384x16xf32, #tpu.memory_space<vmem>>) offsets(%dma_start3A_188 : memref<384xi32, #tpu.memory_space<vmem>>) semaphore(%arg17 : memref<!tpu.dma_semaphore, #tpu.memory_space<semaphore_mem>>)
      } else {
      }
      %add3A_134 = arith.constant 2 : i32
      %add3A_135 = arith.addi %mul3A_49, %add3A_134 : i32
      %mul3A_136 = arith.constant 384 : i32
      %mul3A_137 = arith.muli %add3A_135, %mul3A_136 : i32
      %min3A_138 = arith.constant 24704 : i32
      %min3A_139 = arith.minsi %mul3A_137, %min3A_138 : i32
      %dma_wait3A_140 = tpu.memref_slice %arg7[%min3A_139] : memref<25088xi32, #tpu.memory_space<vmem>> -> memref<384xi32, #tpu.memory_space<vmem>>
      %dma_wait3A_141 = arith.constant 0 : i32
      %dma_wait3A_142 = arith.constant 0 : i32
      %dma_wait3A_143 = tpu.memref_slice %arg3[%dma_wait3A_141, %dma_wait3A_142] : memref<50000x64xf32, #tpu.memory_space<hbm>> -> memref<50000x64xf32, #tpu.memory_space<hbm>>
      tpu.wait_indirect_dma semaphore(%arg16 : memref<!tpu.dma_semaphore, #tpu.memory_space<semaphore_mem>>) src(%dma_wait3A_143 : memref<50000x64xf32, #tpu.memory_space<hbm>>) dst(%arg10 : memref<384x64xf32, #tpu.memory_space<vmem>>)
      %dma_wait3A_144 = tpu.memref_slice %arg7[%min3A_139] : memref<25088xi32, #tpu.memory_space<vmem>> -> memref<384xi32, #tpu.memory_space<vmem>>
      %dma_wait3A_145 = arith.constant 0 : i32
      %dma_wait3A_146 = arith.constant 0 : i32
      %dma_wait3A_147 = tpu.memref_slice %arg4[%dma_wait3A_145, %dma_wait3A_146] : memref<50000x16xf32, #tpu.memory_space<hbm>> -> memref<50000x16xf32, #tpu.memory_space<hbm>>
      tpu.wait_indirect_dma semaphore(%arg19 : memref<!tpu.dma_semaphore, #tpu.memory_space<semaphore_mem>>) src(%dma_wait3A_147 : memref<50000x16xf32, #tpu.memory_space<hbm>>) dst(%arg13 : memref<384x16xf32, #tpu.memory_space<vmem>>)
      %mul3A_148 = arith.constant 384 : i32
      %mul3A_149 = arith.muli %add3A_135, %mul3A_148 : i32
      %min3A_150 = arith.constant 24704 : i32
      %min3A_151 = arith.minsi %mul3A_149, %min3A_150 : i32
      %add3A_152 = arith.addi %mul3A_5, %min3A_151 : i32
      %dma_start3A_153 = arith.constant 0 : i32
      %dma_start3A_154 = tpu.memref_slice %arg5[%add3A_152, %dma_start3A_153] : memref<800000x64xf32, #tpu.memory_space<hbm>> -> memref<384x64xf32, #tpu.memory_space<hbm>>
      %dma_start3A_155 = arith.constant 0 : i32
      %dma_start3A_156 = tpu.memref_slice %arg5[%add3A_152, %dma_start3A_155] : memref<800000x64xf32, #tpu.memory_space<hbm>> -> memref<384x64xf32, #tpu.memory_space<hbm>>
      tpu.enqueue_dma source(%arg10 : memref<384x64xf32, #tpu.memory_space<vmem>>) target(%dma_start3A_156 : memref<384x64xf32, #tpu.memory_space<hbm>>) target_semaphore(%arg22 : memref<!tpu.dma_semaphore, #tpu.memory_space<semaphore_mem>>)
      %mul3A_157 = arith.constant 384 : i32
      %mul3A_158 = arith.muli %add3A_135, %mul3A_157 : i32
      %min3A_159 = arith.constant 24704 : i32
      %min3A_160 = arith.minsi %mul3A_158, %min3A_159 : i32
      %add3A_161 = arith.addi %mul3A_5, %min3A_160 : i32
      %dma_start3A_162 = arith.constant 0 : i32
      %dma_start3A_163 = tpu.memref_slice %arg6[%add3A_161, %dma_start3A_162] : memref<800000x16xf32, #tpu.memory_space<hbm>> -> memref<384x16xf32, #tpu.memory_space<hbm>>
      %dma_start3A_164 = arith.constant 0 : i32
      %dma_start3A_165 = tpu.memref_slice %arg6[%add3A_161, %dma_start3A_164] : memref<800000x16xf32, #tpu.memory_space<hbm>> -> memref<384x16xf32, #tpu.memory_space<hbm>>
      tpu.enqueue_dma source(%arg13 : memref<384x16xf32, #tpu.memory_space<vmem>>) target(%dma_start3A_165 : memref<384x16xf32, #tpu.memory_space<hbm>>) target_semaphore(%arg25 : memref<!tpu.dma_semaphore, #tpu.memory_space<semaphore_mem>>)
      %ge3A_166 = arith.constant 1 : i32
      %ge3A_167 = arith.cmpi sge, %add3A_135, %ge3A_166 : i32
      %convert_element_type3A_168 = arith.extui %ge3A_167 : i1 to i32
      %cond3A_169 = arith.constant 0 : i32
      %cond3A_170 = arith.cmpi ne, %convert_element_type3A_168, %cond3A_169 : i32
      scf.if %cond3A_170 {
        %sub3A = arith.constant 1 : i32
        %sub3A_178 = arith.subi %add3A_135, %sub3A : i32
        %mul3A_179 = arith.constant 384 : i32
        %mul3A_180 = arith.muli %sub3A_178, %mul3A_179 : i32
        %min3A_181 = arith.constant 24704 : i32
        %min3A_182 = arith.minsi %mul3A_180, %min3A_181 : i32
        %add3A_183 = arith.addi %mul3A_5, %min3A_182 : i32
        %dma_wait3A_184 = arith.constant 0 : i32
        %dma_wait3A_185 = tpu.memref_slice %arg5[%add3A_183, %dma_wait3A_184] : memref<800000x64xf32, #tpu.memory_space<hbm>> -> memref<384x64xf32, #tpu.memory_space<hbm>>
        %dma_wait3A_186 = arith.constant 0 : i32
        %dma_wait3A_187 = tpu.memref_slice %arg5[%add3A_183, %dma_wait3A_186] : memref<800000x64xf32, #tpu.memory_space<hbm>> -> memref<384x64xf32, #tpu.memory_space<hbm>>
        tpu.wait_dma2 semaphore(%arg21 : memref<!tpu.dma_semaphore, #tpu.memory_space<semaphore_mem>>) src(%arg9 : memref<384x64xf32, #tpu.memory_space<vmem>>) dst(%dma_wait3A_187 : memref<384x64xf32, #tpu.memory_space<hbm>>)
        %mul3A_188 = arith.constant 384 : i32
        %mul3A_189 = arith.muli %sub3A_178, %mul3A_188 : i32
        %min3A_190 = arith.constant 24704 : i32
        %min3A_191 = arith.minsi %mul3A_189, %min3A_190 : i32
        %add3A_192 = arith.addi %mul3A_5, %min3A_191 : i32
        %dma_wait3A_193 = arith.constant 0 : i32
        %dma_wait3A_194 = tpu.memref_slice %arg6[%add3A_192, %dma_wait3A_193] : memref<800000x16xf32, #tpu.memory_space<hbm>> -> memref<384x16xf32, #tpu.memory_space<hbm>>
        %dma_wait3A_195 = arith.constant 0 : i32
        %dma_wait3A_196 = tpu.memref_slice %arg6[%add3A_192, %dma_wait3A_195] : memref<800000x16xf32, #tpu.memory_space<hbm>> -> memref<384x16xf32, #tpu.memory_space<hbm>>
        tpu.wait_dma2 semaphore(%arg24 : memref<!tpu.dma_semaphore, #tpu.memory_space<semaphore_mem>>) src(%arg12 : memref<384x16xf32, #tpu.memory_space<vmem>>) dst(%dma_wait3A_196 : memref<384x16xf32, #tpu.memory_space<hbm>>)
      } else {
      }
      %add3A_171 = arith.constant 2 : i32
      %add3A_172 = arith.addi %add3A_135, %add3A_171 : i32
      %lt3A_173 = arith.constant 66 : i32
      %lt3A_174 = arith.cmpi slt, %add3A_172, %lt3A_173 : i32
      %convert_element_type3A_175 = arith.extui %lt3A_174 : i1 to i32
      %cond3A_176 = arith.constant 0 : i32
      %cond3A_177 = arith.cmpi ne, %convert_element_type3A_175, %cond3A_176 : i32
      scf.if %cond3A_177 {
        %add3A_178 = arith.constant 2 : i32
        %add3A_179 = arith.addi %add3A_135, %add3A_178 : i32
        %mul3A_180 = arith.constant 384 : i32
        %mul3A_181 = arith.muli %add3A_179, %mul3A_180 : i32
        %min3A_182 = arith.constant 24704 : i32
        %min3A_183 = arith.minsi %mul3A_181, %min3A_182 : i32
        %dma_start3A_184 = tpu.memref_slice %arg7[%min3A_183] : memref<25088xi32, #tpu.memory_space<vmem>> -> memref<384xi32, #tpu.memory_space<vmem>>
        %dma_start3A_185 = arith.constant 0 : i32
        %dma_start3A_186 = arith.constant 0 : i32
        %dma_start3A_187 = tpu.memref_slice %arg3[%dma_start3A_185, %dma_start3A_186] : memref<50000x64xf32, #tpu.memory_space<hbm>> -> memref<50000x64xf32, #tpu.memory_space<hbm>>
        tpu.enqueue_indirect_dma source(%dma_start3A_187 : memref<50000x64xf32, #tpu.memory_space<hbm>>) target(%arg9 : memref<384x64xf32, #tpu.memory_space<vmem>>) offsets(%dma_start3A_184 : memref<384xi32, #tpu.memory_space<vmem>>) semaphore(%arg15 : memref<!tpu.dma_semaphore, #tpu.memory_space<semaphore_mem>>)
        %dma_start3A_188 = tpu.memref_slice %arg7[%min3A_183] : memref<25088xi32, #tpu.memory_space<vmem>> -> memref<384xi32, #tpu.memory_space<vmem>>
        %dma_start3A_189 = arith.constant 0 : i32
        %dma_start3A_190 = arith.constant 0 : i32
        %dma_start3A_191 = tpu.memref_slice %arg4[%dma_start3A_189, %dma_start3A_190] : memref<50000x16xf32, #tpu.memory_space<hbm>> -> memref<50000x16xf32, #tpu.memory_space<hbm>>
        tpu.enqueue_indirect_dma source(%dma_start3A_191 : memref<50000x16xf32, #tpu.memory_space<hbm>>) target(%arg12 : memref<384x16xf32, #tpu.memory_space<vmem>>) offsets(%dma_start3A_188 : memref<384xi32, #tpu.memory_space<vmem>>) semaphore(%arg18 : memref<!tpu.dma_semaphore, #tpu.memory_space<semaphore_mem>>)
      } else {
      }
    }
    %scan3A_31 = arith.constant 22 : i32
    %min3A_32 = arith.constant 24960 : i32
    %min3A_33 = arith.constant 24704 : i32
    %min3A_34 = arith.minsi %min3A_32, %min3A_33 : i32
    %add3A_35 = arith.addi %mul3A_5, %min3A_34 : i32
    %dma_wait3A = arith.constant 0 : i32
    %dma_wait3A_36 = tpu.memref_slice %arg5[%add3A_35, %dma_wait3A] : memref<800000x64xf32, #tpu.memory_space<hbm>> -> memref<384x64xf32, #tpu.memory_space<hbm>>
    %dma_wait3A_37 = arith.constant 0 : i32
    %dma_wait3A_38 = tpu.memref_slice %arg5[%add3A_35, %dma_wait3A_37] : memref<800000x64xf32, #tpu.memory_space<hbm>> -> memref<384x64xf32, #tpu.memory_space<hbm>>
    tpu.wait_dma2 semaphore(%arg22 : memref<!tpu.dma_semaphore, #tpu.memory_space<semaphore_mem>>) src(%arg10 : memref<384x64xf32, #tpu.memory_space<vmem>>) dst(%dma_wait3A_38 : memref<384x64xf32, #tpu.memory_space<hbm>>)
    %min3A_39 = arith.constant 24960 : i32
    %min3A_40 = arith.constant 24704 : i32
    %min3A_41 = arith.minsi %min3A_39, %min3A_40 : i32
    %add3A_42 = arith.addi %mul3A_5, %min3A_41 : i32
    %dma_wait3A_43 = arith.constant 0 : i32
    %dma_wait3A_44 = tpu.memref_slice %arg6[%add3A_42, %dma_wait3A_43] : memref<800000x16xf32, #tpu.memory_space<hbm>> -> memref<384x16xf32, #tpu.memory_space<hbm>>
    %dma_wait3A_45 = arith.constant 0 : i32
    %dma_wait3A_46 = tpu.memref_slice %arg6[%add3A_42, %dma_wait3A_45] : memref<800000x16xf32, #tpu.memory_space<hbm>> -> memref<384x16xf32, #tpu.memory_space<hbm>>
    tpu.wait_dma2 semaphore(%arg25 : memref<!tpu.dma_semaphore, #tpu.memory_space<semaphore_mem>>) src(%arg13 : memref<384x16xf32, #tpu.memory_space<vmem>>) dst(%dma_wait3A_46 : memref<384x16xf32, #tpu.memory_space<hbm>>)
    return
  }
}

#map = affine_map<(d0, d1) -> (0)>
#map1 = affine_map<(d0, d1) -> (0, 0)>
module attributes {stable_mosaic.version = 14 : i64} {
  func.func @body(%arg0: i32, %arg1: i32, %arg2: memref<800000xi32, #tpu.memory_space<hbm>>, %arg3: memref<50000x64xf32, #tpu.memory_space<hbm>>, %arg4: memref<800000x64xf32, #tpu.memory_space<hbm>>, %arg5: memref<25088xi32, #tpu.memory_space<vmem>>, %arg6: memref<384x64xf32, #tpu.memory_space<vmem>>, %arg7: memref<384x64xf32, #tpu.memory_space<vmem>>, %arg8: memref<384x64xf32, #tpu.memory_space<vmem>>, %arg9: memref<!tpu.dma_semaphore, #tpu.memory_space<semaphore_mem>>, %arg10: memref<!tpu.dma_semaphore, #tpu.memory_space<semaphore_mem>>, %arg11: memref<!tpu.dma_semaphore, #tpu.memory_space<semaphore_mem>>, %arg12: memref<!tpu.dma_semaphore, #tpu.memory_space<semaphore_mem>>, %arg13: memref<!tpu.dma_semaphore, #tpu.memory_space<semaphore_mem>>, %arg14: memref<!tpu.dma_semaphore, #tpu.memory_space<semaphore_mem>>) attributes {dimension_semantics = [#tpu.dimension_semantics<core_parallel>, #tpu.dimension_semantics<subcore_parallel>], iteration_bounds = array<i64: 2, 16>, scalar_prefetch = 0 : i64, scratch_operands = 10 : i64, tpu.core_type = #tpu.core_type<sc_vector_subcore>, window_params = [{transform_indices = #map}, {transform_indices = #map1}, {transform_indices = #map1}]} {
    %mul3A = arith.constant 2 : i32
    %mul3A_0 = arith.muli %arg1, %mul3A : i32
    %add3A = arith.addi %mul3A_0, %arg0 : i32
    %mul3A_1 = arith.constant 1568 : i32
    %mul3A_2 = arith.muli %add3A, %mul3A_1 : i32
    %min3A = arith.constant 48432 : i32
    %min3A_3 = arith.minsi %mul3A_2, %min3A : i32
    %mul3A_4 = arith.constant 16 : i32
    %mul3A_5 = arith.muli %min3A_3, %mul3A_4 : i32
    "tpu.region"() ({
      %run_scoped3A = tpu.sem_alloc : memref<!tpu.dma_semaphore, #tpu.memory_space<semaphore_mem>>
      %dma_start3A_31 = tpu.memref_slice %arg2[%mul3A_5] : memref<800000xi32, #tpu.memory_space<hbm>> -> memref<25088xi32, #tpu.memory_space<hbm>>
      %dma_start3A_32 = tpu.memref_slice %arg2[%mul3A_5] : memref<800000xi32, #tpu.memory_space<hbm>> -> memref<25088xi32, #tpu.memory_space<hbm>>
      tpu.enqueue_dma source(%dma_start3A_32 : memref<25088xi32, #tpu.memory_space<hbm>>) target(%arg5 : memref<25088xi32, #tpu.memory_space<vmem>>) target_semaphore(%run_scoped3A : memref<!tpu.dma_semaphore, #tpu.memory_space<semaphore_mem>>)
      %dma_wait3A_33 = tpu.memref_slice %arg2[%mul3A_5] : memref<800000xi32, #tpu.memory_space<hbm>> -> memref<25088xi32, #tpu.memory_space<hbm>>
      %dma_wait3A_34 = tpu.memref_slice %arg2[%mul3A_5] : memref<800000xi32, #tpu.memory_space<hbm>> -> memref<25088xi32, #tpu.memory_space<hbm>>
      tpu.wait_dma2 semaphore(%run_scoped3A : memref<!tpu.dma_semaphore, #tpu.memory_space<semaphore_mem>>) src(%dma_wait3A_34 : memref<25088xi32, #tpu.memory_space<hbm>>) dst(%arg5 : memref<25088xi32, #tpu.memory_space<vmem>>)
      tpu.yield
    }) : () -> ()
    %min3A_6 = arith.constant 0 : i32
    %min3A_7 = arith.constant 24704 : i32
    %min3A_8 = arith.minsi %min3A_6, %min3A_7 : i32
    %dma_start3A = tpu.memref_slice %arg5[%min3A_8] : memref<25088xi32, #tpu.memory_space<vmem>> -> memref<384xi32, #tpu.memory_space<vmem>>
    %dma_start3A_9 = arith.constant 0 : i32
    %dma_start3A_10 = arith.constant 0 : i32
    %dma_start3A_11 = tpu.memref_slice %arg3[%dma_start3A_9, %dma_start3A_10] : memref<50000x64xf32, #tpu.memory_space<hbm>> -> memref<50000x64xf32, #tpu.memory_space<hbm>>
    tpu.enqueue_indirect_dma source(%dma_start3A_11 : memref<50000x64xf32, #tpu.memory_space<hbm>>) target(%arg6 : memref<384x64xf32, #tpu.memory_space<vmem>>) offsets(%dma_start3A : memref<384xi32, #tpu.memory_space<vmem>>) semaphore(%arg9 : memref<!tpu.dma_semaphore, #tpu.memory_space<semaphore_mem>>)
    %min3A_12 = arith.constant 384 : i32
    %min3A_13 = arith.constant 24704 : i32
    %min3A_14 = arith.minsi %min3A_12, %min3A_13 : i32
    %dma_start3A_15 = tpu.memref_slice %arg5[%min3A_14] : memref<25088xi32, #tpu.memory_space<vmem>> -> memref<384xi32, #tpu.memory_space<vmem>>
    %dma_start3A_16 = arith.constant 0 : i32
    %dma_start3A_17 = arith.constant 0 : i32
    %dma_start3A_18 = tpu.memref_slice %arg3[%dma_start3A_16, %dma_start3A_17] : memref<50000x64xf32, #tpu.memory_space<hbm>> -> memref<50000x64xf32, #tpu.memory_space<hbm>>
    tpu.enqueue_indirect_dma source(%dma_start3A_18 : memref<50000x64xf32, #tpu.memory_space<hbm>>) target(%arg7 : memref<384x64xf32, #tpu.memory_space<vmem>>) offsets(%dma_start3A_15 : memref<384xi32, #tpu.memory_space<vmem>>) semaphore(%arg10 : memref<!tpu.dma_semaphore, #tpu.memory_space<semaphore_mem>>)
    %scan3A = arith.constant 0 : i32
    %scan3A_19 = arith.constant 0 : i32
    %scan3A_20 = arith.constant 22 : i32
    %scan3A_21 = arith.addi %scan3A_19, %scan3A_20 : i32
    %scan3A_22 = arith.constant 1 : i32
    scf.for %scan3A_31 = %scan3A_19 to %scan3A_21 step %scan3A_22  : i32 {
      %mul3A_32 = arith.constant 3 : i32
      %mul3A_33 = arith.muli %mul3A_32, %scan3A_31 : i32
      %add3A_34 = arith.constant 0 : i32
      %add3A_35 = arith.addi %mul3A_33, %add3A_34 : i32
      %mul3A_36 = arith.constant 384 : i32
      %mul3A_37 = arith.muli %add3A_35, %mul3A_36 : i32
      %min3A_38 = arith.constant 24704 : i32
      %min3A_39 = arith.minsi %mul3A_37, %min3A_38 : i32
      %dma_wait3A_40 = tpu.memref_slice %arg5[%min3A_39] : memref<25088xi32, #tpu.memory_space<vmem>> -> memref<384xi32, #tpu.memory_space<vmem>>
      %dma_wait3A_41 = arith.constant 0 : i32
      %dma_wait3A_42 = arith.constant 0 : i32
      %dma_wait3A_43 = tpu.memref_slice %arg3[%dma_wait3A_41, %dma_wait3A_42] : memref<50000x64xf32, #tpu.memory_space<hbm>> -> memref<50000x64xf32, #tpu.memory_space<hbm>>
      tpu.wait_indirect_dma semaphore(%arg9 : memref<!tpu.dma_semaphore, #tpu.memory_space<semaphore_mem>>) src(%dma_wait3A_43 : memref<50000x64xf32, #tpu.memory_space<hbm>>) dst(%arg6 : memref<384x64xf32, #tpu.memory_space<vmem>>)
      %mul3A_44 = arith.constant 384 : i32
      %mul3A_45 = arith.muli %add3A_35, %mul3A_44 : i32
      %min3A_46 = arith.constant 24704 : i32
      %min3A_47 = arith.minsi %mul3A_45, %min3A_46 : i32
      %add3A_48 = arith.addi %mul3A_5, %min3A_47 : i32
      %dma_start3A_49 = arith.constant 0 : i32
      %dma_start3A_50 = tpu.memref_slice %arg4[%add3A_48, %dma_start3A_49] : memref<800000x64xf32, #tpu.memory_space<hbm>> -> memref<384x64xf32, #tpu.memory_space<hbm>>
      %dma_start3A_51 = arith.constant 0 : i32
      %dma_start3A_52 = tpu.memref_slice %arg4[%add3A_48, %dma_start3A_51] : memref<800000x64xf32, #tpu.memory_space<hbm>> -> memref<384x64xf32, #tpu.memory_space<hbm>>
      tpu.enqueue_dma source(%arg6 : memref<384x64xf32, #tpu.memory_space<vmem>>) target(%dma_start3A_52 : memref<384x64xf32, #tpu.memory_space<hbm>>) target_semaphore(%arg12 : memref<!tpu.dma_semaphore, #tpu.memory_space<semaphore_mem>>)
      %ge3A = arith.constant 1 : i32
      %ge3A_53 = arith.cmpi sge, %add3A_35, %ge3A : i32
      %convert_element_type3A = arith.extui %ge3A_53 : i1 to i32
      %cond3A = arith.constant 0 : i32
      %cond3A_54 = arith.cmpi ne, %convert_element_type3A, %cond3A : i32
      scf.if %cond3A_54 {
        %sub3A = arith.constant 1 : i32
        %sub3A_123 = arith.subi %add3A_35, %sub3A : i32
        %mul3A_124 = arith.constant 384 : i32
        %mul3A_125 = arith.muli %sub3A_123, %mul3A_124 : i32
        %min3A_126 = arith.constant 24704 : i32
        %min3A_127 = arith.minsi %mul3A_125, %min3A_126 : i32
        %add3A_128 = arith.addi %mul3A_5, %min3A_127 : i32
        %dma_wait3A_129 = arith.constant 0 : i32
        %dma_wait3A_130 = tpu.memref_slice %arg4[%add3A_128, %dma_wait3A_129] : memref<800000x64xf32, #tpu.memory_space<hbm>> -> memref<384x64xf32, #tpu.memory_space<hbm>>
        %dma_wait3A_131 = arith.constant 0 : i32
        %dma_wait3A_132 = tpu.memref_slice %arg4[%add3A_128, %dma_wait3A_131] : memref<800000x64xf32, #tpu.memory_space<hbm>> -> memref<384x64xf32, #tpu.memory_space<hbm>>
        tpu.wait_dma2 semaphore(%arg14 : memref<!tpu.dma_semaphore, #tpu.memory_space<semaphore_mem>>) src(%arg8 : memref<384x64xf32, #tpu.memory_space<vmem>>) dst(%dma_wait3A_132 : memref<384x64xf32, #tpu.memory_space<hbm>>)
      } else {
      }
      %add3A_55 = arith.constant 2 : i32
      %add3A_56 = arith.addi %add3A_35, %add3A_55 : i32
      %lt3A = arith.constant 66 : i32
      %lt3A_57 = arith.cmpi slt, %add3A_56, %lt3A : i32
      %convert_element_type3A_58 = arith.extui %lt3A_57 : i1 to i32
      %cond3A_59 = arith.constant 0 : i32
      %cond3A_60 = arith.cmpi ne, %convert_element_type3A_58, %cond3A_59 : i32
      scf.if %cond3A_60 {
        %add3A_123 = arith.constant 2 : i32
        %add3A_124 = arith.addi %add3A_35, %add3A_123 : i32
        %mul3A_125 = arith.constant 384 : i32
        %mul3A_126 = arith.muli %add3A_124, %mul3A_125 : i32
        %min3A_127 = arith.constant 24704 : i32
        %min3A_128 = arith.minsi %mul3A_126, %min3A_127 : i32
        %dma_start3A_129 = tpu.memref_slice %arg5[%min3A_128] : memref<25088xi32, #tpu.memory_space<vmem>> -> memref<384xi32, #tpu.memory_space<vmem>>
        %dma_start3A_130 = arith.constant 0 : i32
        %dma_start3A_131 = arith.constant 0 : i32
        %dma_start3A_132 = tpu.memref_slice %arg3[%dma_start3A_130, %dma_start3A_131] : memref<50000x64xf32, #tpu.memory_space<hbm>> -> memref<50000x64xf32, #tpu.memory_space<hbm>>
        tpu.enqueue_indirect_dma source(%dma_start3A_132 : memref<50000x64xf32, #tpu.memory_space<hbm>>) target(%arg8 : memref<384x64xf32, #tpu.memory_space<vmem>>) offsets(%dma_start3A_129 : memref<384xi32, #tpu.memory_space<vmem>>) semaphore(%arg11 : memref<!tpu.dma_semaphore, #tpu.memory_space<semaphore_mem>>)
      } else {
      }
      %add3A_61 = arith.constant 1 : i32
      %add3A_62 = arith.addi %mul3A_33, %add3A_61 : i32
      %mul3A_63 = arith.constant 384 : i32
      %mul3A_64 = arith.muli %add3A_62, %mul3A_63 : i32
      %min3A_65 = arith.constant 24704 : i32
      %min3A_66 = arith.minsi %mul3A_64, %min3A_65 : i32
      %dma_wait3A_67 = tpu.memref_slice %arg5[%min3A_66] : memref<25088xi32, #tpu.memory_space<vmem>> -> memref<384xi32, #tpu.memory_space<vmem>>
      %dma_wait3A_68 = arith.constant 0 : i32
      %dma_wait3A_69 = arith.constant 0 : i32
      %dma_wait3A_70 = tpu.memref_slice %arg3[%dma_wait3A_68, %dma_wait3A_69] : memref<50000x64xf32, #tpu.memory_space<hbm>> -> memref<50000x64xf32, #tpu.memory_space<hbm>>
      tpu.wait_indirect_dma semaphore(%arg10 : memref<!tpu.dma_semaphore, #tpu.memory_space<semaphore_mem>>) src(%dma_wait3A_70 : memref<50000x64xf32, #tpu.memory_space<hbm>>) dst(%arg7 : memref<384x64xf32, #tpu.memory_space<vmem>>)
      %mul3A_71 = arith.constant 384 : i32
      %mul3A_72 = arith.muli %add3A_62, %mul3A_71 : i32
      %min3A_73 = arith.constant 24704 : i32
      %min3A_74 = arith.minsi %mul3A_72, %min3A_73 : i32
      %add3A_75 = arith.addi %mul3A_5, %min3A_74 : i32
      %dma_start3A_76 = arith.constant 0 : i32
      %dma_start3A_77 = tpu.memref_slice %arg4[%add3A_75, %dma_start3A_76] : memref<800000x64xf32, #tpu.memory_space<hbm>> -> memref<384x64xf32, #tpu.memory_space<hbm>>
      %dma_start3A_78 = arith.constant 0 : i32
      %dma_start3A_79 = tpu.memref_slice %arg4[%add3A_75, %dma_start3A_78] : memref<800000x64xf32, #tpu.memory_space<hbm>> -> memref<384x64xf32, #tpu.memory_space<hbm>>
      tpu.enqueue_dma source(%arg7 : memref<384x64xf32, #tpu.memory_space<vmem>>) target(%dma_start3A_79 : memref<384x64xf32, #tpu.memory_space<hbm>>) target_semaphore(%arg13 : memref<!tpu.dma_semaphore, #tpu.memory_space<semaphore_mem>>)
      %ge3A_80 = arith.constant 1 : i32
      %ge3A_81 = arith.cmpi sge, %add3A_62, %ge3A_80 : i32
      %convert_element_type3A_82 = arith.extui %ge3A_81 : i1 to i32
      %cond3A_83 = arith.constant 0 : i32
      %cond3A_84 = arith.cmpi ne, %convert_element_type3A_82, %cond3A_83 : i32
      scf.if %cond3A_84 {
        %sub3A = arith.constant 1 : i32
        %sub3A_123 = arith.subi %add3A_62, %sub3A : i32
        %mul3A_124 = arith.constant 384 : i32
        %mul3A_125 = arith.muli %sub3A_123, %mul3A_124 : i32
        %min3A_126 = arith.constant 24704 : i32
        %min3A_127 = arith.minsi %mul3A_125, %min3A_126 : i32
        %add3A_128 = arith.addi %mul3A_5, %min3A_127 : i32
        %dma_wait3A_129 = arith.constant 0 : i32
        %dma_wait3A_130 = tpu.memref_slice %arg4[%add3A_128, %dma_wait3A_129] : memref<800000x64xf32, #tpu.memory_space<hbm>> -> memref<384x64xf32, #tpu.memory_space<hbm>>
        %dma_wait3A_131 = arith.constant 0 : i32
        %dma_wait3A_132 = tpu.memref_slice %arg4[%add3A_128, %dma_wait3A_131] : memref<800000x64xf32, #tpu.memory_space<hbm>> -> memref<384x64xf32, #tpu.memory_space<hbm>>
        tpu.wait_dma2 semaphore(%arg12 : memref<!tpu.dma_semaphore, #tpu.memory_space<semaphore_mem>>) src(%arg6 : memref<384x64xf32, #tpu.memory_space<vmem>>) dst(%dma_wait3A_132 : memref<384x64xf32, #tpu.memory_space<hbm>>)
      } else {
      }
      %add3A_85 = arith.constant 2 : i32
      %add3A_86 = arith.addi %add3A_62, %add3A_85 : i32
      %lt3A_87 = arith.constant 66 : i32
      %lt3A_88 = arith.cmpi slt, %add3A_86, %lt3A_87 : i32
      %convert_element_type3A_89 = arith.extui %lt3A_88 : i1 to i32
      %cond3A_90 = arith.constant 0 : i32
      %cond3A_91 = arith.cmpi ne, %convert_element_type3A_89, %cond3A_90 : i32
      scf.if %cond3A_91 {
        %add3A_123 = arith.constant 2 : i32
        %add3A_124 = arith.addi %add3A_62, %add3A_123 : i32
        %mul3A_125 = arith.constant 384 : i32
        %mul3A_126 = arith.muli %add3A_124, %mul3A_125 : i32
        %min3A_127 = arith.constant 24704 : i32
        %min3A_128 = arith.minsi %mul3A_126, %min3A_127 : i32
        %dma_start3A_129 = tpu.memref_slice %arg5[%min3A_128] : memref<25088xi32, #tpu.memory_space<vmem>> -> memref<384xi32, #tpu.memory_space<vmem>>
        %dma_start3A_130 = arith.constant 0 : i32
        %dma_start3A_131 = arith.constant 0 : i32
        %dma_start3A_132 = tpu.memref_slice %arg3[%dma_start3A_130, %dma_start3A_131] : memref<50000x64xf32, #tpu.memory_space<hbm>> -> memref<50000x64xf32, #tpu.memory_space<hbm>>
        tpu.enqueue_indirect_dma source(%dma_start3A_132 : memref<50000x64xf32, #tpu.memory_space<hbm>>) target(%arg6 : memref<384x64xf32, #tpu.memory_space<vmem>>) offsets(%dma_start3A_129 : memref<384xi32, #tpu.memory_space<vmem>>) semaphore(%arg9 : memref<!tpu.dma_semaphore, #tpu.memory_space<semaphore_mem>>)
      } else {
      }
      %add3A_92 = arith.constant 2 : i32
      %add3A_93 = arith.addi %mul3A_33, %add3A_92 : i32
      %mul3A_94 = arith.constant 384 : i32
      %mul3A_95 = arith.muli %add3A_93, %mul3A_94 : i32
      %min3A_96 = arith.constant 24704 : i32
      %min3A_97 = arith.minsi %mul3A_95, %min3A_96 : i32
      %dma_wait3A_98 = tpu.memref_slice %arg5[%min3A_97] : memref<25088xi32, #tpu.memory_space<vmem>> -> memref<384xi32, #tpu.memory_space<vmem>>
      %dma_wait3A_99 = arith.constant 0 : i32
      %dma_wait3A_100 = arith.constant 0 : i32
      %dma_wait3A_101 = tpu.memref_slice %arg3[%dma_wait3A_99, %dma_wait3A_100] : memref<50000x64xf32, #tpu.memory_space<hbm>> -> memref<50000x64xf32, #tpu.memory_space<hbm>>
      tpu.wait_indirect_dma semaphore(%arg11 : memref<!tpu.dma_semaphore, #tpu.memory_space<semaphore_mem>>) src(%dma_wait3A_101 : memref<50000x64xf32, #tpu.memory_space<hbm>>) dst(%arg8 : memref<384x64xf32, #tpu.memory_space<vmem>>)
      %mul3A_102 = arith.constant 384 : i32
      %mul3A_103 = arith.muli %add3A_93, %mul3A_102 : i32
      %min3A_104 = arith.constant 24704 : i32
      %min3A_105 = arith.minsi %mul3A_103, %min3A_104 : i32
      %add3A_106 = arith.addi %mul3A_5, %min3A_105 : i32
      %dma_start3A_107 = arith.constant 0 : i32
      %dma_start3A_108 = tpu.memref_slice %arg4[%add3A_106, %dma_start3A_107] : memref<800000x64xf32, #tpu.memory_space<hbm>> -> memref<384x64xf32, #tpu.memory_space<hbm>>
      %dma_start3A_109 = arith.constant 0 : i32
      %dma_start3A_110 = tpu.memref_slice %arg4[%add3A_106, %dma_start3A_109] : memref<800000x64xf32, #tpu.memory_space<hbm>> -> memref<384x64xf32, #tpu.memory_space<hbm>>
      tpu.enqueue_dma source(%arg8 : memref<384x64xf32, #tpu.memory_space<vmem>>) target(%dma_start3A_110 : memref<384x64xf32, #tpu.memory_space<hbm>>) target_semaphore(%arg14 : memref<!tpu.dma_semaphore, #tpu.memory_space<semaphore_mem>>)
      %ge3A_111 = arith.constant 1 : i32
      %ge3A_112 = arith.cmpi sge, %add3A_93, %ge3A_111 : i32
      %convert_element_type3A_113 = arith.extui %ge3A_112 : i1 to i32
      %cond3A_114 = arith.constant 0 : i32
      %cond3A_115 = arith.cmpi ne, %convert_element_type3A_113, %cond3A_114 : i32
      scf.if %cond3A_115 {
        %sub3A = arith.constant 1 : i32
        %sub3A_123 = arith.subi %add3A_93, %sub3A : i32
        %mul3A_124 = arith.constant 384 : i32
        %mul3A_125 = arith.muli %sub3A_123, %mul3A_124 : i32
        %min3A_126 = arith.constant 24704 : i32
        %min3A_127 = arith.minsi %mul3A_125, %min3A_126 : i32
        %add3A_128 = arith.addi %mul3A_5, %min3A_127 : i32
        %dma_wait3A_129 = arith.constant 0 : i32
        %dma_wait3A_130 = tpu.memref_slice %arg4[%add3A_128, %dma_wait3A_129] : memref<800000x64xf32, #tpu.memory_space<hbm>> -> memref<384x64xf32, #tpu.memory_space<hbm>>
        %dma_wait3A_131 = arith.constant 0 : i32
        %dma_wait3A_132 = tpu.memref_slice %arg4[%add3A_128, %dma_wait3A_131] : memref<800000x64xf32, #tpu.memory_space<hbm>> -> memref<384x64xf32, #tpu.memory_space<hbm>>
        tpu.wait_dma2 semaphore(%arg13 : memref<!tpu.dma_semaphore, #tpu.memory_space<semaphore_mem>>) src(%arg7 : memref<384x64xf32, #tpu.memory_space<vmem>>) dst(%dma_wait3A_132 : memref<384x64xf32, #tpu.memory_space<hbm>>)
      } else {
      }
      %add3A_116 = arith.constant 2 : i32
      %add3A_117 = arith.addi %add3A_93, %add3A_116 : i32
      %lt3A_118 = arith.constant 66 : i32
      %lt3A_119 = arith.cmpi slt, %add3A_117, %lt3A_118 : i32
      %convert_element_type3A_120 = arith.extui %lt3A_119 : i1 to i32
      %cond3A_121 = arith.constant 0 : i32
      %cond3A_122 = arith.cmpi ne, %convert_element_type3A_120, %cond3A_121 : i32
      scf.if %cond3A_122 {
        %add3A_123 = arith.constant 2 : i32
        %add3A_124 = arith.addi %add3A_93, %add3A_123 : i32
        %mul3A_125 = arith.constant 384 : i32
        %mul3A_126 = arith.muli %add3A_124, %mul3A_125 : i32
        %min3A_127 = arith.constant 24704 : i32
        %min3A_128 = arith.minsi %mul3A_126, %min3A_127 : i32
        %dma_start3A_129 = tpu.memref_slice %arg5[%min3A_128] : memref<25088xi32, #tpu.memory_space<vmem>> -> memref<384xi32, #tpu.memory_space<vmem>>
        %dma_start3A_130 = arith.constant 0 : i32
        %dma_start3A_131 = arith.constant 0 : i32
        %dma_start3A_132 = tpu.memref_slice %arg3[%dma_start3A_130, %dma_start3A_131] : memref<50000x64xf32, #tpu.memory_space<hbm>> -> memref<50000x64xf32, #tpu.memory_space<hbm>>
        tpu.enqueue_indirect_dma source(%dma_start3A_132 : memref<50000x64xf32, #tpu.memory_space<hbm>>) target(%arg7 : memref<384x64xf32, #tpu.memory_space<vmem>>) offsets(%dma_start3A_129 : memref<384xi32, #tpu.memory_space<vmem>>) semaphore(%arg10 : memref<!tpu.dma_semaphore, #tpu.memory_space<semaphore_mem>>)
      } else {
      }
    }
    %scan3A_23 = arith.constant 22 : i32
    %min3A_24 = arith.constant 24960 : i32
    %min3A_25 = arith.constant 24704 : i32
    %min3A_26 = arith.minsi %min3A_24, %min3A_25 : i32
    %add3A_27 = arith.addi %mul3A_5, %min3A_26 : i32
    %dma_wait3A = arith.constant 0 : i32
    %dma_wait3A_28 = tpu.memref_slice %arg4[%add3A_27, %dma_wait3A] : memref<800000x64xf32, #tpu.memory_space<hbm>> -> memref<384x64xf32, #tpu.memory_space<hbm>>
    %dma_wait3A_29 = arith.constant 0 : i32
    %dma_wait3A_30 = tpu.memref_slice %arg4[%add3A_27, %dma_wait3A_29] : memref<800000x64xf32, #tpu.memory_space<hbm>> -> memref<384x64xf32, #tpu.memory_space<hbm>>
    tpu.wait_dma2 semaphore(%arg14 : memref<!tpu.dma_semaphore, #tpu.memory_space<semaphore_mem>>) src(%arg8 : memref<384x64xf32, #tpu.memory_space<vmem>>) dst(%dma_wait3A_30 : memref<384x64xf32, #tpu.memory_space<hbm>>)
    return
  }
}

module attributes {stable_mosaic.version = 14 : i64} {
  func.func @_qkv_kernel(%arg0: i32, %arg1: memref<2000x64xf32, #tpu.memory_space<vmem>>, %arg2: memref<2000x4xf32, #tpu.memory_space<vmem>>, %arg3: memref<64x64xf32, #tpu.memory_space<vmem>>, %arg4: memref<1x64xf32, #tpu.memory_space<vmem>>, %arg5: memref<64x64xf32, #tpu.memory_space<vmem>>, %arg6: memref<1x64xf32, #tpu.memory_space<vmem>>, %arg7: memref<64x64xf32, #tpu.memory_space<vmem>>, %arg8: memref<1x64xf32, #tpu.memory_space<vmem>>, %arg9: memref<4x16xf32, #tpu.memory_space<vmem>>, %arg10: memref<2000x64xf32, #tpu.memory_space<vmem>>, %arg11: memref<2000x64xf32, #tpu.memory_space<vmem>>, %arg12: memref<2000x64xf32, #tpu.memory_space<vmem>>, %arg13: memref<2000x16xf32, #tpu.memory_space<vmem>>) attributes {dimension_semantics = [#tpu.dimension_semantics<arbitrary>], iteration_bounds = array<i64: 25>, scalar_prefetch = 0 : i64, scratch_operands = 0 : i64, tpu.core_type = #tpu.core_type<tc>, window_params = [{transform_indices = @transform_0, window_bounds = array<i64: 2000, 64>}, {transform_indices = @transform_1, window_bounds = array<i64: 2000, 4>}, {pipeline_mode = #tpu.pipeline_mode<synchronous>, transform_indices = @transform_2, window_bounds = array<i64: 64, 64>}, {pipeline_mode = #tpu.pipeline_mode<synchronous>, transform_indices = @transform_3, window_bounds = array<i64: 1, 64>}, {pipeline_mode = #tpu.pipeline_mode<synchronous>, transform_indices = @transform_4, window_bounds = array<i64: 64, 64>}, {pipeline_mode = #tpu.pipeline_mode<synchronous>, transform_indices = @transform_5, window_bounds = array<i64: 1, 64>}, {pipeline_mode = #tpu.pipeline_mode<synchronous>, transform_indices = @transform_6, window_bounds = array<i64: 64, 64>}, {pipeline_mode = #tpu.pipeline_mode<synchronous>, transform_indices = @transform_7, window_bounds = array<i64: 1, 64>}, {pipeline_mode = #tpu.pipeline_mode<synchronous>, transform_indices = @transform_8, window_bounds = array<i64: 4, 16>}, {transform_indices = @transform_9, window_bounds = array<i64: 2000, 64>}, {transform_indices = @transform_10, window_bounds = array<i64: 2000, 64>}, {transform_indices = @transform_11, window_bounds = array<i64: 2000, 64>}, {transform_indices = @transform_12, window_bounds = array<i64: 2000, 16>}]} {
    %get3A = arith.constant 0 : index
    %get3A_0 = arith.constant 0 : index
    %get3A_1 = vector.load %arg1[%get3A, %get3A_0] : memref<2000x64xf32, #tpu.memory_space<vmem>>, vector<2000x64xf32>
    %get3A_2 = arith.constant 0 : index
    %get3A_3 = arith.constant 0 : index
    %get3A_4 = vector.load %arg3[%get3A_2, %get3A_3] : memref<64x64xf32, #tpu.memory_space<vmem>>, vector<64x64xf32>
    %dot_general3A = arith.constant dense<0.000000e+00> : vector<2000x64xf32>
    %dot_general3A_5 = tpu.matmul %get3A_1, %get3A_4, %dot_general3A {dimension_numbers = #tpu.dot_dimension_numbers<[1], [0], [0], [1], [0, 0, 1, 1], [], []>, transpose_lhs_hint = false} : vector<2000x64xf32>, vector<64x64xf32>, vector<2000x64xf32> -> vector<2000x64xf32>
    %get3A_6 = arith.constant 0 : index
    %get3A_7 = arith.constant 0 : index
    %get3A_8 = vector.load %arg4[%get3A_6, %get3A_7] : memref<1x64xf32, #tpu.memory_space<vmem>>, vector<1x64xf32>
    %add3A = vector.broadcast %get3A_8 : vector<1x64xf32> to vector<2000x64xf32>
    %add3A_9 = arith.addf %dot_general3A_5, %add3A : vector<2000x64xf32>
    %swap3A = arith.constant 0 : index
    %swap3A_10 = arith.constant 0 : index
    %swap3A_11 = vector.load %arg10[%swap3A, %swap3A_10] : memref<2000x64xf32, #tpu.memory_space<vmem>>, vector<2000x64xf32>
    tpu.vector_store %arg10[%swap3A, %swap3A_10], %add3A_9 {strides = array<i32>} : memref<2000x64xf32, #tpu.memory_space<vmem>>, vector<2000x64xf32>,
    %get3A_12 = arith.constant 0 : index
    %get3A_13 = arith.constant 0 : index
    %get3A_14 = vector.load %arg5[%get3A_12, %get3A_13] : memref<64x64xf32, #tpu.memory_space<vmem>>, vector<64x64xf32>
    %dot_general3A_15 = arith.constant dense<0.000000e+00> : vector<2000x64xf32>
    %dot_general3A_16 = tpu.matmul %get3A_1, %get3A_14, %dot_general3A_15 {dimension_numbers = #tpu.dot_dimension_numbers<[1], [0], [0], [1], [0, 0, 1, 1], [], []>, transpose_lhs_hint = false} : vector<2000x64xf32>, vector<64x64xf32>, vector<2000x64xf32> -> vector<2000x64xf32>
    %get3A_17 = arith.constant 0 : index
    %get3A_18 = arith.constant 0 : index
    %get3A_19 = vector.load %arg6[%get3A_17, %get3A_18] : memref<1x64xf32, #tpu.memory_space<vmem>>, vector<1x64xf32>
    %add3A_20 = vector.broadcast %get3A_19 : vector<1x64xf32> to vector<2000x64xf32>
    %add3A_21 = arith.addf %dot_general3A_16, %add3A_20 : vector<2000x64xf32>
    %swap3A_22 = arith.constant 0 : index
    %swap3A_23 = arith.constant 0 : index
    %swap3A_24 = vector.load %arg11[%swap3A_22, %swap3A_23] : memref<2000x64xf32, #tpu.memory_space<vmem>>, vector<2000x64xf32>
    tpu.vector_store %arg11[%swap3A_22, %swap3A_23], %add3A_21 {strides = array<i32>} : memref<2000x64xf32, #tpu.memory_space<vmem>>, vector<2000x64xf32>,
    %get3A_25 = arith.constant 0 : index
    %get3A_26 = arith.constant 0 : index
    %get3A_27 = vector.load %arg7[%get3A_25, %get3A_26] : memref<64x64xf32, #tpu.memory_space<vmem>>, vector<64x64xf32>
    %dot_general3A_28 = arith.constant dense<0.000000e+00> : vector<2000x64xf32>
    %dot_general3A_29 = tpu.matmul %get3A_1, %get3A_27, %dot_general3A_28 {dimension_numbers = #tpu.dot_dimension_numbers<[1], [0], [0], [1], [0, 0, 1, 1], [], []>, transpose_lhs_hint = false} : vector<2000x64xf32>, vector<64x64xf32>, vector<2000x64xf32> -> vector<2000x64xf32>
    %get3A_30 = arith.constant 0 : index
    %get3A_31 = arith.constant 0 : index
    %get3A_32 = vector.load %arg8[%get3A_30, %get3A_31] : memref<1x64xf32, #tpu.memory_space<vmem>>, vector<1x64xf32>
    %add3A_33 = vector.broadcast %get3A_32 : vector<1x64xf32> to vector<2000x64xf32>
    %add3A_34 = arith.addf %dot_general3A_29, %add3A_33 : vector<2000x64xf32>
    %swap3A_35 = arith.constant 0 : index
    %swap3A_36 = arith.constant 0 : index
    %swap3A_37 = vector.load %arg12[%swap3A_35, %swap3A_36] : memref<2000x64xf32, #tpu.memory_space<vmem>>, vector<2000x64xf32>
    tpu.vector_store %arg12[%swap3A_35, %swap3A_36], %add3A_34 {strides = array<i32>} : memref<2000x64xf32, #tpu.memory_space<vmem>>, vector<2000x64xf32>,
    %get3A_38 = arith.constant 0 : index
    %get3A_39 = arith.constant 0 : index
    %get3A_40 = vector.load %arg2[%get3A_38, %get3A_39] : memref<2000x4xf32, #tpu.memory_space<vmem>>, vector<2000x4xf32>
    %get3A_41 = arith.constant 0 : index
    %get3A_42 = arith.constant 0 : index
    %get3A_43 = vector.load %arg9[%get3A_41, %get3A_42] : memref<4x16xf32, #tpu.memory_space<vmem>>, vector<4x16xf32>
    %dot_general3A_44 = arith.constant dense<0.000000e+00> : vector<2000x16xf32>
    %dot_general3A_45 = tpu.matmul %get3A_40, %get3A_43, %dot_general3A_44 {dimension_numbers = #tpu.dot_dimension_numbers<[1], [0], [0], [1], [0, 0, 1, 1], [], []>, transpose_lhs_hint = false} : vector<2000x4xf32>, vector<4x16xf32>, vector<2000x16xf32> -> vector<2000x16xf32>
    %swap3A_46 = arith.constant 0 : index
    %swap3A_47 = arith.constant 0 : index
    %swap3A_48 = vector.load %arg13[%swap3A_46, %swap3A_47] : memref<2000x16xf32, #tpu.memory_space<vmem>>, vector<2000x16xf32>
    tpu.vector_store %arg13[%swap3A_46, %swap3A_47], %dot_general3A_45 {strides = array<i32>} : memref<2000x16xf32, #tpu.memory_space<vmem>>, vector<2000x16xf32>,
    return
  }
  func.func @transform_0(%arg0: i32) -> (i32, i32) {
    %c0_i32 = arith.constant 0 : i32
    %c0_i32_0 = arith.constant 0 : i32
    return %arg0, %c0_i32 : i32, i32
  }
  func.func @transform_1(%arg0: i32) -> (i32, i32) {
    %c0_i32 = arith.constant 0 : i32
    %c0_i32_0 = arith.constant 0 : i32
    return %arg0, %c0_i32 : i32, i32
  }
  func.func @transform_2(%arg0: i32) -> (i32, i32) {
    %c0_i32 = arith.constant 0 : i32
    %c0_i32_0 = arith.constant 0 : i32
    %c0_i32_1 = arith.constant 0 : i32
    return %c0_i32, %c0_i32_0 : i32, i32
  }
  func.func @transform_3(%arg0: i32) -> (i32, i32) {
    %c0_i32 = arith.constant 0 : i32
    %c0_i32_0 = arith.constant 0 : i32
    %c0_i32_1 = arith.constant 0 : i32
    return %c0_i32, %c0_i32_0 : i32, i32
  }
  func.func @transform_4(%arg0: i32) -> (i32, i32) {
    %c0_i32 = arith.constant 0 : i32
    %c0_i32_0 = arith.constant 0 : i32
    %c0_i32_1 = arith.constant 0 : i32
    return %c0_i32, %c0_i32_0 : i32, i32
  }
  func.func @transform_5(%arg0: i32) -> (i32, i32) {
    %c0_i32 = arith.constant 0 : i32
    %c0_i32_0 = arith.constant 0 : i32
    %c0_i32_1 = arith.constant 0 : i32
    return %c0_i32, %c0_i32_0 : i32, i32
  }
  func.func @transform_6(%arg0: i32) -> (i32, i32) {
    %c0_i32 = arith.constant 0 : i32
    %c0_i32_0 = arith.constant 0 : i32
    %c0_i32_1 = arith.constant 0 : i32
    return %c0_i32, %c0_i32_0 : i32, i32
  }
  func.func @transform_7(%arg0: i32) -> (i32, i32) {
    %c0_i32 = arith.constant 0 : i32
    %c0_i32_0 = arith.constant 0 : i32
    %c0_i32_1 = arith.constant 0 : i32
    return %c0_i32, %c0_i32_0 : i32, i32
  }
  func.func @transform_8(%arg0: i32) -> (i32, i32) {
    %c0_i32 = arith.constant 0 : i32
    %c0_i32_0 = arith.constant 0 : i32
    %c0_i32_1 = arith.constant 0 : i32
    return %c0_i32, %c0_i32_0 : i32, i32
  }
  func.func @transform_9(%arg0: i32) -> (i32, i32) {
    %c0_i32 = arith.constant 0 : i32
    %c0_i32_0 = arith.constant 0 : i32
    return %arg0, %c0_i32 : i32, i32
  }
  func.func @transform_10(%arg0: i32) -> (i32, i32) {
    %c0_i32 = arith.constant 0 : i32
    %c0_i32_0 = arith.constant 0 : i32
    return %arg0, %c0_i32 : i32, i32
  }
  func.func @transform_11(%arg0: i32) -> (i32, i32) {
    %c0_i32 = arith.constant 0 : i32
    %c0_i32_0 = arith.constant 0 : i32
    return %arg0, %c0_i32 : i32, i32
  }
  func.func @transform_12(%arg0: i32) -> (i32, i32) {
    %c0_i32 = arith.constant 0 : i32
    %c0_i32_0 = arith.constant 0 : i32
    return %arg0, %c0_i32 : i32, i32
  }
}

module attributes {stable_mosaic.version = 14 : i64} {
  func.func @_stats1_kernel(%arg0: i32, %arg1: memref<1000x256xf32, #tpu.memory_space<vmem>>, %arg2: memref<1000x16xf32, #tpu.memory_space<vmem>>, %arg3: memref<16x256xf32, #tpu.memory_space<vmem>>, %arg4: memref<8x256xf32, #tpu.memory_space<vmem>>) attributes {dimension_semantics = [#tpu.dimension_semantics<arbitrary>], iteration_bounds = array<i64: 50>, scalar_prefetch = 0 : i64, scratch_operands = 0 : i64, tpu.core_type = #tpu.core_type<tc>, window_params = [{transform_indices = @transform_0, window_bounds = array<i64: 1000, 256>}, {transform_indices = @transform_1, window_bounds = array<i64: 1000, 16>}, {pipeline_mode = #tpu.pipeline_mode<synchronous>, transform_indices = @transform_2, window_bounds = array<i64: 16, 256>}, {pipeline_mode = #tpu.pipeline_mode<synchronous>, transform_indices = @transform_3, window_bounds = array<i64: 8, 256>}]} {
    %get3A = arith.constant 0 : index
    %get3A_0 = arith.constant 0 : index
    %get3A_1 = vector.load %arg1[%get3A, %get3A_0] : memref<1000x256xf32, #tpu.memory_space<vmem>>, vector<1000x256xf32>
    %get3A_2 = arith.constant 0 : index
    %get3A_3 = arith.constant 0 : index
    %get3A_4 = vector.load %arg2[%get3A_2, %get3A_3] : memref<1000x16xf32, #tpu.memory_space<vmem>>, vector<1000x16xf32>
    %get3A_5 = arith.constant 0 : index
    %get3A_6 = arith.constant 0 : index
    %get3A_7 = vector.load %arg3[%get3A_5, %get3A_6] : memref<16x256xf32, #tpu.memory_space<vmem>>, vector<16x256xf32>
    %dot_general3A = arith.constant dense<0.000000e+00> : vector<1000x256xf32>
    %dot_general3A_8 = tpu.matmul %get3A_4, %get3A_7, %dot_general3A {dimension_numbers = #tpu.dot_dimension_numbers<[1], [0], [0], [1], [0, 0, 1, 1], [], []>, transpose_lhs_hint = false} : vector<1000x16xf32>, vector<16x256xf32>, vector<1000x256xf32> -> vector<1000x256xf32>
    %sub3A = arith.subf %get3A_1, %dot_general3A_8 : vector<1000x256xf32>
    %reduce_sum3A = arith.constant dense<0.000000e+00> : vector<256xf32>
    %reduce_sum3A_9 = vector.multi_reduction <add>, %sub3A, %reduce_sum3A [0] : vector<1000x256xf32> to vector<256xf32>
    %mul3A = arith.mulf %sub3A, %sub3A : vector<1000x256xf32>
    %reduce_sum3A_10 = arith.constant dense<0.000000e+00> : vector<256xf32>
    %reduce_sum3A_11 = vector.multi_reduction <add>, %mul3A, %reduce_sum3A_10 [0] : vector<1000x256xf32> to vector<256xf32>
    %eq3A = arith.constant 0 : i32
    %eq3A_12 = arith.cmpi eq, %arg0, %eq3A : i32
    %convert_element_type3A = arith.extui %eq3A_12 : i1 to i32
    %cond3A = arith.constant 0 : i32
    %cond3A_13 = arith.cmpi ne, %convert_element_type3A, %cond3A : i32
    scf.if %cond3A_13 {
      %broadcast_in_dim3A_22 = arith.constant 0.000000e+00 : f32
      %broadcast_in_dim3A_23 = vector.broadcast %broadcast_in_dim3A_22 : f32 to vector<8x256xf32>
      %swap3A_24 = arith.constant 0 : index
      %swap3A_25 = arith.constant 0 : index
      %swap3A_26 = vector.load %arg4[%swap3A_24, %swap3A_25] : memref<8x256xf32, #tpu.memory_space<vmem>>, vector<8x256xf32>
      tpu.vector_store %arg4[%swap3A_24, %swap3A_25], %broadcast_in_dim3A_23 {strides = array<i32>} : memref<8x256xf32, #tpu.memory_space<vmem>>, vector<8x256xf32>,
    } else {
    }
    %get3A_14 = arith.constant 0 : index
    %get3A_15 = arith.constant 0 : index
    %get3A_16 = vector.load %arg4[%get3A_14, %get3A_15] : memref<8x256xf32, #tpu.memory_space<vmem>>, vector<8x256xf32>
    %broadcast_in_dim3A = vector.shape_cast %reduce_sum3A_9 : vector<256xf32> to vector<1x256xf32>
    %broadcast_in_dim3A_17 = vector.shape_cast %reduce_sum3A_11 : vector<256xf32> to vector<1x256xf32>
    %broadcast_in_dim3A_18 = arith.constant 0.000000e+00 : f32
    %broadcast_in_dim3A_19 = vector.broadcast %broadcast_in_dim3A_18 : f32 to vector<6x256xf32>
    %concatenate3A = tpu.concatenate %broadcast_in_dim3A, %broadcast_in_dim3A_17, %broadcast_in_dim3A_19 in 0 : vector<1x256xf32>, vector<1x256xf32>, vector<6x256xf32> -> vector<8x256xf32>
    %add3A = arith.addf %get3A_16, %concatenate3A : vector<8x256xf32>
    %swap3A = arith.constant 0 : index
    %swap3A_20 = arith.constant 0 : index
    %swap3A_21 = vector.load %arg4[%swap3A, %swap3A_20] : memref<8x256xf32, #tpu.memory_space<vmem>>, vector<8x256xf32>
    tpu.vector_store %arg4[%swap3A, %swap3A_20], %add3A {strides = array<i32>} : memref<8x256xf32, #tpu.memory_space<vmem>>, vector<8x256xf32>,
    return
  }
  func.func @transform_0(%arg0: i32) -> (i32, i32) {
    %c0_i32 = arith.constant 0 : i32
    %c0_i32_0 = arith.constant 0 : i32
    return %arg0, %c0_i32 : i32, i32
  }
  func.func @transform_1(%arg0: i32) -> (i32, i32) {
    %c0_i32 = arith.constant 0 : i32
    %c0_i32_0 = arith.constant 0 : i32
    return %arg0, %c0_i32 : i32, i32
  }
  func.func @transform_2(%arg0: i32) -> (i32, i32) {
    %c0_i32 = arith.constant 0 : i32
    %c0_i32_0 = arith.constant 0 : i32
    %c0_i32_1 = arith.constant 0 : i32
    return %c0_i32, %c0_i32_0 : i32, i32
  }
  func.func @transform_3(%arg0: i32) -> (i32, i32) {
    %c0_i32 = arith.constant 0 : i32
    %c0_i32_0 = arith.constant 0 : i32
    %c0_i32_1 = arith.constant 0 : i32
    return %c0_i32, %c0_i32_0 : i32, i32
  }
}

module attributes {stable_mosaic.version = 14 : i64} {
  func.func @_stats2_kernel(%arg0: i32, %arg1: memref<1000x1024xf32, #tpu.memory_space<vmem>>, %arg2: memref<1000x256xf32, #tpu.memory_space<vmem>>, %arg3: memref<1000x16xf32, #tpu.memory_space<vmem>>, %arg4: memref<1000x64xf32, #tpu.memory_space<vmem>>, %arg5: memref<16x256xf32, #tpu.memory_space<vmem>>, %arg6: memref<64x1024xf32, #tpu.memory_space<vmem>>, %arg7: memref<1x256xf32, #tpu.memory_space<vmem>>, %arg8: memref<1x256xf32, #tpu.memory_space<vmem>>, %arg9: memref<256x1024xf32, #tpu.memory_space<vmem>>, %arg10: memref<1x1024xf32, #tpu.memory_space<vmem>>, %arg11: memref<8x1024xf32, #tpu.memory_space<vmem>>) attributes {dimension_semantics = [#tpu.dimension_semantics<arbitrary>], iteration_bounds = array<i64: 50>, scalar_prefetch = 0 : i64, scratch_operands = 0 : i64, tpu.core_type = #tpu.core_type<tc>, window_params = [{transform_indices = @transform_0, window_bounds = array<i64: 1000, 1024>}, {transform_indices = @transform_1, window_bounds = array<i64: 1000, 256>}, {transform_indices = @transform_2, window_bounds = array<i64: 1000, 16>}, {transform_indices = @transform_3, window_bounds = array<i64: 1000, 64>}, {pipeline_mode = #tpu.pipeline_mode<synchronous>, transform_indices = @transform_4, window_bounds = array<i64: 16, 256>}, {pipeline_mode = #tpu.pipeline_mode<synchronous>, transform_indices = @transform_5, window_bounds = array<i64: 64, 1024>}, {pipeline_mode = #tpu.pipeline_mode<synchronous>, transform_indices = @transform_6, window_bounds = array<i64: 1, 256>}, {pipeline_mode = #tpu.pipeline_mode<synchronous>, transform_indices = @transform_7, window_bounds = array<i64: 1, 256>}, {pipeline_mode = #tpu.pipeline_mode<synchronous>, transform_indices = @transform_8, window_bounds = array<i64: 256, 1024>}, {pipeline_mode = #tpu.pipeline_mode<synchronous>, transform_indices = @transform_9, window_bounds = array<i64: 1, 1024>}, {pipeline_mode = #tpu.pipeline_mode<synchronous>, transform_indices = @transform_10, window_bounds = array<i64: 8, 1024>}]} {
    %get3A = arith.constant 0 : index
    %get3A_0 = arith.constant 0 : index
    %get3A_1 = vector.load %arg2[%get3A, %get3A_0] : memref<1000x256xf32, #tpu.memory_space<vmem>>, vector<1000x256xf32>
    %get3A_2 = arith.constant 0 : index
    %get3A_3 = arith.constant 0 : index
    %get3A_4 = vector.load %arg3[%get3A_2, %get3A_3] : memref<1000x16xf32, #tpu.memory_space<vmem>>, vector<1000x16xf32>
    %get3A_5 = arith.constant 0 : index
    %get3A_6 = arith.constant 0 : index
    %get3A_7 = vector.load %arg5[%get3A_5, %get3A_6] : memref<16x256xf32, #tpu.memory_space<vmem>>, vector<16x256xf32>
    %get3A_8 = arith.constant 0 : index
    %get3A_9 = arith.constant 0 : index
    %get3A_10 = vector.load %arg7[%get3A_8, %get3A_9] : memref<1x256xf32, #tpu.memory_space<vmem>>, vector<1x256xf32>
    %get3A_11 = arith.constant 0 : index
    %get3A_12 = arith.constant 0 : index
    %get3A_13 = vector.load %arg8[%get3A_11, %get3A_12] : memref<1x256xf32, #tpu.memory_space<vmem>>, vector<1x256xf32>
    %get3A_14 = arith.constant 0 : index
    %get3A_15 = arith.constant 0 : index
    %get3A_16 = vector.load %arg9[%get3A_14, %get3A_15] : memref<256x1024xf32, #tpu.memory_space<vmem>>, vector<256x1024xf32>
    %get3A_17 = arith.constant 0 : index
    %get3A_18 = arith.constant 0 : index
    %get3A_19 = vector.load %arg10[%get3A_17, %get3A_18] : memref<1x1024xf32, #tpu.memory_space<vmem>>, vector<1x1024xf32>
    %dot_general3A = arith.constant dense<0.000000e+00> : vector<1000x256xf32>
    %dot_general3A_20 = tpu.matmul %get3A_4, %get3A_7, %dot_general3A {dimension_numbers = #tpu.dot_dimension_numbers<[1], [0], [0], [1], [0, 0, 1, 1], [], []>, transpose_lhs_hint = false} : vector<1000x16xf32>, vector<16x256xf32>, vector<1000x256xf32> -> vector<1000x256xf32>
    %sub3A = arith.subf %get3A_1, %dot_general3A_20 : vector<1000x256xf32>
    %mul3A = vector.broadcast %get3A_10 : vector<1x256xf32> to vector<1000x256xf32>
    %mul3A_21 = arith.mulf %sub3A, %mul3A : vector<1000x256xf32>
    %add3A = vector.broadcast %get3A_13 : vector<1x256xf32> to vector<1000x256xf32>
    %add3A_22 = arith.addf %mul3A_21, %add3A : vector<1000x256xf32>
    %max3A = arith.constant 0.000000e+00 : f32
    %max3A_23 = vector.broadcast %max3A : f32 to vector<1000x256xf32>
    %max3A_24 = arith.maximumf %add3A_22, %max3A_23 : vector<1000x256xf32>
    %dot_general3A_25 = arith.constant dense<0.000000e+00> : vector<1000x1024xf32>
    %dot_general3A_26 = tpu.matmul %max3A_24, %get3A_16, %dot_general3A_25 {dimension_numbers = #tpu.dot_dimension_numbers<[1], [0], [0], [1], [0, 0, 1, 1], [], []>, transpose_lhs_hint = false} : vector<1000x256xf32>, vector<256x1024xf32>, vector<1000x1024xf32> -> vector<1000x1024xf32>
    %add3A_27 = vector.broadcast %get3A_19 : vector<1x1024xf32> to vector<1000x1024xf32>
    %add3A_28 = arith.addf %dot_general3A_26, %add3A_27 : vector<1000x1024xf32>
    %get3A_29 = arith.constant 0 : index
    %get3A_30 = arith.constant 0 : index
    %get3A_31 = vector.load %arg1[%get3A_29, %get3A_30] : memref<1000x1024xf32, #tpu.memory_space<vmem>>, vector<1000x1024xf32>
    %get3A_32 = arith.constant 0 : index
    %get3A_33 = arith.constant 0 : index
    %get3A_34 = vector.load %arg4[%get3A_32, %get3A_33] : memref<1000x64xf32, #tpu.memory_space<vmem>>, vector<1000x64xf32>
    %get3A_35 = arith.constant 0 : index
    %get3A_36 = arith.constant 0 : index
    %get3A_37 = vector.load %arg6[%get3A_35, %get3A_36] : memref<64x1024xf32, #tpu.memory_space<vmem>>, vector<64x1024xf32>
    %dot_general3A_38 = arith.constant dense<0.000000e+00> : vector<1000x1024xf32>
    %dot_general3A_39 = tpu.matmul %get3A_34, %get3A_37, %dot_general3A_38 {dimension_numbers = #tpu.dot_dimension_numbers<[1], [0], [0], [1], [0, 0, 1, 1], [], []>, transpose_lhs_hint = false} : vector<1000x64xf32>, vector<64x1024xf32>, vector<1000x1024xf32> -> vector<1000x1024xf32>
    %sub3A_40 = arith.subf %get3A_31, %dot_general3A_39 : vector<1000x1024xf32>
    %add3A_41 = arith.addf %sub3A_40, %add3A_28 : vector<1000x1024xf32>
    %reduce_sum3A = arith.constant dense<0.000000e+00> : vector<1024xf32>
    %reduce_sum3A_42 = vector.multi_reduction <add>, %add3A_41, %reduce_sum3A [0] : vector<1000x1024xf32> to vector<1024xf32>
    %mul3A_43 = arith.mulf %add3A_41, %add3A_41 : vector<1000x1024xf32>
    %reduce_sum3A_44 = arith.constant dense<0.000000e+00> : vector<1024xf32>
    %reduce_sum3A_45 = vector.multi_reduction <add>, %mul3A_43, %reduce_sum3A_44 [0] : vector<1000x1024xf32> to vector<1024xf32>
    %eq3A = arith.constant 0 : i32
    %eq3A_46 = arith.cmpi eq, %arg0, %eq3A : i32
    %convert_element_type3A = arith.extui %eq3A_46 : i1 to i32
    %cond3A = arith.constant 0 : i32
    %cond3A_47 = arith.cmpi ne, %convert_element_type3A, %cond3A : i32
    scf.if %cond3A_47 {
      %broadcast_in_dim3A_57 = arith.constant 0.000000e+00 : f32
      %broadcast_in_dim3A_58 = vector.broadcast %broadcast_in_dim3A_57 : f32 to vector<8x1024xf32>
      %swap3A_59 = arith.constant 0 : index
      %swap3A_60 = arith.constant 0 : index
      %swap3A_61 = vector.load %arg11[%swap3A_59, %swap3A_60] : memref<8x1024xf32, #tpu.memory_space<vmem>>, vector<8x1024xf32>
      tpu.vector_store %arg11[%swap3A_59, %swap3A_60], %broadcast_in_dim3A_58 {strides = array<i32>} : memref<8x1024xf32, #tpu.memory_space<vmem>>, vector<8x1024xf32>,
    } else {
    }
    %get3A_48 = arith.constant 0 : index
    %get3A_49 = arith.constant 0 : index
    %get3A_50 = vector.load %arg11[%get3A_48, %get3A_49] : memref<8x1024xf32, #tpu.memory_space<vmem>>, vector<8x1024xf32>
    %broadcast_in_dim3A = vector.shape_cast %reduce_sum3A_42 : vector<1024xf32> to vector<1x1024xf32>
    %broadcast_in_dim3A_51 = vector.shape_cast %reduce_sum3A_45 : vector<1024xf32> to vector<1x1024xf32>
    %broadcast_in_dim3A_52 = arith.constant 0.000000e+00 : f32
    %broadcast_in_dim3A_53 = vector.broadcast %broadcast_in_dim3A_52 : f32 to vector<6x1024xf32>
    %concatenate3A = tpu.concatenate %broadcast_in_dim3A, %broadcast_in_dim3A_51, %broadcast_in_dim3A_53 in 0 : vector<1x1024xf32>, vector<1x1024xf32>, vector<6x1024xf32> -> vector<8x1024xf32>
    %add3A_54 = arith.addf %get3A_50, %concatenate3A : vector<8x1024xf32>
    %swap3A = arith.constant 0 : index
    %swap3A_55 = arith.constant 0 : index
    %swap3A_56 = vector.load %arg11[%swap3A, %swap3A_55] : memref<8x1024xf32, #tpu.memory_space<vmem>>, vector<8x1024xf32>
    tpu.vector_store %arg11[%swap3A, %swap3A_55], %add3A_54 {strides = array<i32>} : memref<8x1024xf32, #tpu.memory_space<vmem>>, vector<8x1024xf32>,
    return
  }
  func.func @transform_0(%arg0: i32) -> (i32, i32) {
    %c0_i32 = arith.constant 0 : i32
    %c0_i32_0 = arith.constant 0 : i32
    return %arg0, %c0_i32 : i32, i32
  }
  func.func @transform_1(%arg0: i32) -> (i32, i32) {
    %c0_i32 = arith.constant 0 : i32
    %c0_i32_0 = arith.constant 0 : i32
    return %arg0, %c0_i32 : i32, i32
  }
  func.func @transform_2(%arg0: i32) -> (i32, i32) {
    %c0_i32 = arith.constant 0 : i32
    %c0_i32_0 = arith.constant 0 : i32
    return %arg0, %c0_i32 : i32, i32
  }
  func.func @transform_3(%arg0: i32) -> (i32, i32) {
    %c0_i32 = arith.constant 0 : i32
    %c0_i32_0 = arith.constant 0 : i32
    return %arg0, %c0_i32 : i32, i32
  }
  func.func @transform_4(%arg0: i32) -> (i32, i32) {
    %c0_i32 = arith.constant 0 : i32
    %c0_i32_0 = arith.constant 0 : i32
    %c0_i32_1 = arith.constant 0 : i32
    return %c0_i32, %c0_i32_0 : i32, i32
  }
  func.func @transform_5(%arg0: i32) -> (i32, i32) {
    %c0_i32 = arith.constant 0 : i32
    %c0_i32_0 = arith.constant 0 : i32
    %c0_i32_1 = arith.constant 0 : i32
    return %c0_i32, %c0_i32_0 : i32, i32
  }
  func.func @transform_6(%arg0: i32) -> (i32, i32) {
    %c0_i32 = arith.constant 0 : i32
    %c0_i32_0 = arith.constant 0 : i32
    %c0_i32_1 = arith.constant 0 : i32
    return %c0_i32, %c0_i32_0 : i32, i32
  }
  func.func @transform_7(%arg0: i32) -> (i32, i32) {
    %c0_i32 = arith.constant 0 : i32
    %c0_i32_0 = arith.constant 0 : i32
    %c0_i32_1 = arith.constant 0 : i32
    return %c0_i32, %c0_i32_0 : i32, i32
  }
  func.func @transform_8(%arg0: i32) -> (i32, i32) {
    %c0_i32 = arith.constant 0 : i32
    %c0_i32_0 = arith.constant 0 : i32
    %c0_i32_1 = arith.constant 0 : i32
    return %c0_i32, %c0_i32_0 : i32, i32
  }
  func.func @transform_9(%arg0: i32) -> (i32, i32) {
    %c0_i32 = arith.constant 0 : i32
    %c0_i32_0 = arith.constant 0 : i32
    %c0_i32_1 = arith.constant 0 : i32
    return %c0_i32, %c0_i32_0 : i32, i32
  }
  func.func @transform_10(%arg0: i32) -> (i32, i32) {
    %c0_i32 = arith.constant 0 : i32
    %c0_i32_0 = arith.constant 0 : i32
    %c0_i32_1 = arith.constant 0 : i32
    return %c0_i32, %c0_i32_0 : i32, i32
  }
}

module attributes {stable_mosaic.version = 14 : i64} {
  func.func @_w1_kernel(%arg0: i32, %arg1: memref<1000x1024xf32, #tpu.memory_space<vmem>>, %arg2: memref<1000x256xf32, #tpu.memory_space<vmem>>, %arg3: memref<1000x16xf32, #tpu.memory_space<vmem>>, %arg4: memref<1000x64xf32, #tpu.memory_space<vmem>>, %arg5: memref<16x256xf32, #tpu.memory_space<vmem>>, %arg6: memref<64x1024xf32, #tpu.memory_space<vmem>>, %arg7: memref<1x256xf32, #tpu.memory_space<vmem>>, %arg8: memref<1x256xf32, #tpu.memory_space<vmem>>, %arg9: memref<256x1024xf32, #tpu.memory_space<vmem>>, %arg10: memref<1x1024xf32, #tpu.memory_space<vmem>>, %arg11: memref<1x1024xf32, #tpu.memory_space<vmem>>, %arg12: memref<1x1024xf32, #tpu.memory_space<vmem>>, %arg13: memref<1024x128xf32, #tpu.memory_space<vmem>>, %arg14: memref<1x128xf32, #tpu.memory_space<vmem>>, %arg15: memref<1000x128xf32, #tpu.memory_space<vmem>>, %arg16: memref<8x128xf32, #tpu.memory_space<vmem>>) attributes {dimension_semantics = [#tpu.dimension_semantics<arbitrary>], iteration_bounds = array<i64: 50>, scalar_prefetch = 0 : i64, scratch_operands = 0 : i64, tpu.core_type = #tpu.core_type<tc>, window_params = [{transform_indices = @transform_0, window_bounds = array<i64: 1000, 1024>}, {transform_indices = @transform_1, window_bounds = array<i64: 1000, 256>}, {transform_indices = @transform_2, window_bounds = array<i64: 1000, 16>}, {transform_indices = @transform_3, window_bounds = array<i64: 1000, 64>}, {pipeline_mode = #tpu.pipeline_mode<synchronous>, transform_indices = @transform_4, window_bounds = array<i64: 16, 256>}, {pipeline_mode = #tpu.pipeline_mode<synchronous>, transform_indices = @transform_5, window_bounds = array<i64: 64, 1024>}, {pipeline_mode = #tpu.pipeline_mode<synchronous>, transform_indices = @transform_6, window_bounds = array<i64: 1, 256>}, {pipeline_mode = #tpu.pipeline_mode<synchronous>, transform_indices = @transform_7, window_bounds = array<i64: 1, 256>}, {pipeline_mode = #tpu.pipeline_mode<synchronous>, transform_indices = @transform_8, window_bounds = array<i64: 256, 1024>}, {pipeline_mode = #tpu.pipeline_mode<synchronous>, transform_indices = @transform_9, window_bounds = array<i64: 1, 1024>}, {pipeline_mode = #tpu.pipeline_mode<synchronous>, transform_indices = @transform_10, window_bounds = array<i64: 1, 1024>}, {pipeline_mode = #tpu.pipeline_mode<synchronous>, transform_indices = @transform_11, window_bounds = array<i64: 1, 1024>}, {pipeline_mode = #tpu.pipeline_mode<synchronous>, transform_indices = @transform_12, window_bounds = array<i64: 1024, 128>}, {pipeline_mode = #tpu.pipeline_mode<synchronous>, transform_indices = @transform_13, window_bounds = array<i64: 1, 128>}, {transform_indices = @transform_14, window_bounds = array<i64: 1000, 128>}, {pipeline_mode = #tpu.pipeline_mode<synchronous>, transform_indices = @transform_15, window_bounds = array<i64: 8, 128>}]} {
    %get3A = arith.constant 0 : index
    %get3A_0 = arith.constant 0 : index
    %get3A_1 = vector.load %arg2[%get3A, %get3A_0] : memref<1000x256xf32, #tpu.memory_space<vmem>>, vector<1000x256xf32>
    %get3A_2 = arith.constant 0 : index
    %get3A_3 = arith.constant 0 : index
    %get3A_4 = vector.load %arg3[%get3A_2, %get3A_3] : memref<1000x16xf32, #tpu.memory_space<vmem>>, vector<1000x16xf32>
    %get3A_5 = arith.constant 0 : index
    %get3A_6 = arith.constant 0 : index
    %get3A_7 = vector.load %arg5[%get3A_5, %get3A_6] : memref<16x256xf32, #tpu.memory_space<vmem>>, vector<16x256xf32>
    %get3A_8 = arith.constant 0 : index
    %get3A_9 = arith.constant 0 : index
    %get3A_10 = vector.load %arg7[%get3A_8, %get3A_9] : memref<1x256xf32, #tpu.memory_space<vmem>>, vector<1x256xf32>
    %get3A_11 = arith.constant 0 : index
    %get3A_12 = arith.constant 0 : index
    %get3A_13 = vector.load %arg8[%get3A_11, %get3A_12] : memref<1x256xf32, #tpu.memory_space<vmem>>, vector<1x256xf32>
    %get3A_14 = arith.constant 0 : index
    %get3A_15 = arith.constant 0 : index
    %get3A_16 = vector.load %arg9[%get3A_14, %get3A_15] : memref<256x1024xf32, #tpu.memory_space<vmem>>, vector<256x1024xf32>
    %get3A_17 = arith.constant 0 : index
    %get3A_18 = arith.constant 0 : index
    %get3A_19 = vector.load %arg10[%get3A_17, %get3A_18] : memref<1x1024xf32, #tpu.memory_space<vmem>>, vector<1x1024xf32>
    %dot_general3A = arith.constant dense<0.000000e+00> : vector<1000x256xf32>
    %dot_general3A_20 = tpu.matmul %get3A_4, %get3A_7, %dot_general3A {dimension_numbers = #tpu.dot_dimension_numbers<[1], [0], [0], [1], [0, 0, 1, 1], [], []>, transpose_lhs_hint = false} : vector<1000x16xf32>, vector<16x256xf32>, vector<1000x256xf32> -> vector<1000x256xf32>
    %sub3A = arith.subf %get3A_1, %dot_general3A_20 : vector<1000x256xf32>
    %mul3A = vector.broadcast %get3A_10 : vector<1x256xf32> to vector<1000x256xf32>
    %mul3A_21 = arith.mulf %sub3A, %mul3A : vector<1000x256xf32>
    %add3A = vector.broadcast %get3A_13 : vector<1x256xf32> to vector<1000x256xf32>
    %add3A_22 = arith.addf %mul3A_21, %add3A : vector<1000x256xf32>
    %max3A = arith.constant 0.000000e+00 : f32
    %max3A_23 = vector.broadcast %max3A : f32 to vector<1000x256xf32>
    %max3A_24 = arith.maximumf %add3A_22, %max3A_23 : vector<1000x256xf32>
    %dot_general3A_25 = arith.constant dense<0.000000e+00> : vector<1000x1024xf32>
    %dot_general3A_26 = tpu.matmul %max3A_24, %get3A_16, %dot_general3A_25 {dimension_numbers = #tpu.dot_dimension_numbers<[1], [0], [0], [1], [0, 0, 1, 1], [], []>, transpose_lhs_hint = false} : vector<1000x256xf32>, vector<256x1024xf32>, vector<1000x1024xf32> -> vector<1000x1024xf32>
    %add3A_27 = vector.broadcast %get3A_19 : vector<1x1024xf32> to vector<1000x1024xf32>
    %add3A_28 = arith.addf %dot_general3A_26, %add3A_27 : vector<1000x1024xf32>
    %get3A_29 = arith.constant 0 : index
    %get3A_30 = arith.constant 0 : index
    %get3A_31 = vector.load %arg1[%get3A_29, %get3A_30] : memref<1000x1024xf32, #tpu.memory_space<vmem>>, vector<1000x1024xf32>
    %get3A_32 = arith.constant 0 : index
    %get3A_33 = arith.constant 0 : index
    %get3A_34 = vector.load %arg4[%get3A_32, %get3A_33] : memref<1000x64xf32, #tpu.memory_space<vmem>>, vector<1000x64xf32>
    %get3A_35 = arith.constant 0 : index
    %get3A_36 = arith.constant 0 : index
    %get3A_37 = vector.load %arg6[%get3A_35, %get3A_36] : memref<64x1024xf32, #tpu.memory_space<vmem>>, vector<64x1024xf32>
    %dot_general3A_38 = arith.constant dense<0.000000e+00> : vector<1000x1024xf32>
    %dot_general3A_39 = tpu.matmul %get3A_34, %get3A_37, %dot_general3A_38 {dimension_numbers = #tpu.dot_dimension_numbers<[1], [0], [0], [1], [0, 0, 1, 1], [], []>, transpose_lhs_hint = false} : vector<1000x64xf32>, vector<64x1024xf32>, vector<1000x1024xf32> -> vector<1000x1024xf32>
    %sub3A_40 = arith.subf %get3A_31, %dot_general3A_39 : vector<1000x1024xf32>
    %add3A_41 = arith.addf %sub3A_40, %add3A_28 : vector<1000x1024xf32>
    %get3A_42 = arith.constant 0 : index
    %get3A_43 = arith.constant 0 : index
    %get3A_44 = vector.load %arg11[%get3A_42, %get3A_43] : memref<1x1024xf32, #tpu.memory_space<vmem>>, vector<1x1024xf32>
    %mul3A_45 = vector.broadcast %get3A_44 : vector<1x1024xf32> to vector<1000x1024xf32>
    %mul3A_46 = arith.mulf %add3A_41, %mul3A_45 : vector<1000x1024xf32>
    %get3A_47 = arith.constant 0 : index
    %get3A_48 = arith.constant 0 : index
    %get3A_49 = vector.load %arg12[%get3A_47, %get3A_48] : memref<1x1024xf32, #tpu.memory_space<vmem>>, vector<1x1024xf32>
    %add3A_50 = vector.broadcast %get3A_49 : vector<1x1024xf32> to vector<1000x1024xf32>
    %add3A_51 = arith.addf %mul3A_46, %add3A_50 : vector<1000x1024xf32>
    %max3A_52 = arith.constant 0.000000e+00 : f32
    %max3A_53 = vector.broadcast %max3A_52 : f32 to vector<1000x1024xf32>
    %max3A_54 = arith.maximumf %add3A_51, %max3A_53 : vector<1000x1024xf32>
    %get3A_55 = arith.constant 0 : index
    %get3A_56 = arith.constant 0 : index
    %get3A_57 = vector.load %arg13[%get3A_55, %get3A_56] : memref<1024x128xf32, #tpu.memory_space<vmem>>, vector<1024x128xf32>
    %dot_general3A_58 = arith.constant dense<0.000000e+00> : vector<1000x128xf32>
    %dot_general3A_59 = tpu.matmul %max3A_54, %get3A_57, %dot_general3A_58 {dimension_numbers = #tpu.dot_dimension_numbers<[1], [0], [0], [1], [0, 0, 1, 1], [], []>, transpose_lhs_hint = false} : vector<1000x1024xf32>, vector<1024x128xf32>, vector<1000x128xf32> -> vector<1000x128xf32>
    %get3A_60 = arith.constant 0 : index
    %get3A_61 = arith.constant 0 : index
    %get3A_62 = vector.load %arg14[%get3A_60, %get3A_61] : memref<1x128xf32, #tpu.memory_space<vmem>>, vector<1x128xf32>
    %add3A_63 = vector.broadcast %get3A_62 : vector<1x128xf32> to vector<1000x128xf32>
    %add3A_64 = arith.addf %dot_general3A_59, %add3A_63 : vector<1000x128xf32>
    %swap3A = arith.constant 0 : index
    %swap3A_65 = arith.constant 0 : index
    %swap3A_66 = vector.load %arg15[%swap3A, %swap3A_65] : memref<1000x128xf32, #tpu.memory_space<vmem>>, vector<1000x128xf32>
    tpu.vector_store %arg15[%swap3A, %swap3A_65], %add3A_64 {strides = array<i32>} : memref<1000x128xf32, #tpu.memory_space<vmem>>, vector<1000x128xf32>,
    %reduce_sum3A = arith.constant dense<0.000000e+00> : vector<128xf32>
    %reduce_sum3A_67 = vector.multi_reduction <add>, %add3A_64, %reduce_sum3A [0] : vector<1000x128xf32> to vector<128xf32>
    %mul3A_68 = arith.mulf %add3A_64, %add3A_64 : vector<1000x128xf32>
    %reduce_sum3A_69 = arith.constant dense<0.000000e+00> : vector<128xf32>
    %reduce_sum3A_70 = vector.multi_reduction <add>, %mul3A_68, %reduce_sum3A_69 [0] : vector<1000x128xf32> to vector<128xf32>
    %eq3A = arith.constant 0 : i32
    %eq3A_71 = arith.cmpi eq, %arg0, %eq3A : i32
    %convert_element_type3A = arith.extui %eq3A_71 : i1 to i32
    %cond3A = arith.constant 0 : i32
    %cond3A_72 = arith.cmpi ne, %convert_element_type3A, %cond3A : i32
    scf.if %cond3A_72 {
      %broadcast_in_dim3A_83 = arith.constant 0.000000e+00 : f32
      %broadcast_in_dim3A_84 = vector.broadcast %broadcast_in_dim3A_83 : f32 to vector<8x128xf32>
      %swap3A_85 = arith.constant 0 : index
      %swap3A_86 = arith.constant 0 : index
      %swap3A_87 = vector.load %arg16[%swap3A_85, %swap3A_86] : memref<8x128xf32, #tpu.memory_space<vmem>>, vector<8x128xf32>
      tpu.vector_store %arg16[%swap3A_85, %swap3A_86], %broadcast_in_dim3A_84 {strides = array<i32>} : memref<8x128xf32, #tpu.memory_space<vmem>>, vector<8x128xf32>,
    } else {
    }
    %get3A_73 = arith.constant 0 : index
    %get3A_74 = arith.constant 0 : index
    %get3A_75 = vector.load %arg16[%get3A_73, %get3A_74] : memref<8x128xf32, #tpu.memory_space<vmem>>, vector<8x128xf32>
    %broadcast_in_dim3A = vector.shape_cast %reduce_sum3A_67 : vector<128xf32> to vector<1x128xf32>
    %broadcast_in_dim3A_76 = vector.shape_cast %reduce_sum3A_70 : vector<128xf32> to vector<1x128xf32>
    %broadcast_in_dim3A_77 = arith.constant 0.000000e+00 : f32
    %broadcast_in_dim3A_78 = vector.broadcast %broadcast_in_dim3A_77 : f32 to vector<6x128xf32>
    %concatenate3A = tpu.concatenate %broadcast_in_dim3A, %broadcast_in_dim3A_76, %broadcast_in_dim3A_78 in 0 : vector<1x128xf32>, vector<1x128xf32>, vector<6x128xf32> -> vector<8x128xf32>
    %add3A_79 = arith.addf %get3A_75, %concatenate3A : vector<8x128xf32>
    %swap3A_80 = arith.constant 0 : index
    %swap3A_81 = arith.constant 0 : index
    %swap3A_82 = vector.load %arg16[%swap3A_80, %swap3A_81] : memref<8x128xf32, #tpu.memory_space<vmem>>, vector<8x128xf32>
    tpu.vector_store %arg16[%swap3A_80, %swap3A_81], %add3A_79 {strides = array<i32>} : memref<8x128xf32, #tpu.memory_space<vmem>>, vector<8x128xf32>,
    return
  }
  func.func @transform_0(%arg0: i32) -> (i32, i32) {
    %c0_i32 = arith.constant 0 : i32
    %c0_i32_0 = arith.constant 0 : i32
    return %arg0, %c0_i32 : i32, i32
  }
  func.func @transform_1(%arg0: i32) -> (i32, i32) {
    %c0_i32 = arith.constant 0 : i32
    %c0_i32_0 = arith.constant 0 : i32
    return %arg0, %c0_i32 : i32, i32
  }
  func.func @transform_2(%arg0: i32) -> (i32, i32) {
    %c0_i32 = arith.constant 0 : i32
    %c0_i32_0 = arith.constant 0 : i32
    return %arg0, %c0_i32 : i32, i32
  }
  func.func @transform_3(%arg0: i32) -> (i32, i32) {
    %c0_i32 = arith.constant 0 : i32
    %c0_i32_0 = arith.constant 0 : i32
    return %arg0, %c0_i32 : i32, i32
  }
  func.func @transform_4(%arg0: i32) -> (i32, i32) {
    %c0_i32 = arith.constant 0 : i32
    %c0_i32_0 = arith.constant 0 : i32
    %c0_i32_1 = arith.constant 0 : i32
    return %c0_i32, %c0_i32_0 : i32, i32
  }
  func.func @transform_5(%arg0: i32) -> (i32, i32) {
    %c0_i32 = arith.constant 0 : i32
    %c0_i32_0 = arith.constant 0 : i32
    %c0_i32_1 = arith.constant 0 : i32
    return %c0_i32, %c0_i32_0 : i32, i32
  }
  func.func @transform_6(%arg0: i32) -> (i32, i32) {
    %c0_i32 = arith.constant 0 : i32
    %c0_i32_0 = arith.constant 0 : i32
    %c0_i32_1 = arith.constant 0 : i32
    return %c0_i32, %c0_i32_0 : i32, i32
  }
  func.func @transform_7(%arg0: i32) -> (i32, i32) {
    %c0_i32 = arith.constant 0 : i32
    %c0_i32_0 = arith.constant 0 : i32
    %c0_i32_1 = arith.constant 0 : i32
    return %c0_i32, %c0_i32_0 : i32, i32
  }
  func.func @transform_8(%arg0: i32) -> (i32, i32) {
    %c0_i32 = arith.constant 0 : i32
    %c0_i32_0 = arith.constant 0 : i32
    %c0_i32_1 = arith.constant 0 : i32
    return %c0_i32, %c0_i32_0 : i32, i32
  }
  func.func @transform_9(%arg0: i32) -> (i32, i32) {
    %c0_i32 = arith.constant 0 : i32
    %c0_i32_0 = arith.constant 0 : i32
    %c0_i32_1 = arith.constant 0 : i32
    return %c0_i32, %c0_i32_0 : i32, i32
  }
  func.func @transform_10(%arg0: i32) -> (i32, i32) {
    %c0_i32 = arith.constant 0 : i32
    %c0_i32_0 = arith.constant 0 : i32
    %c0_i32_1 = arith.constant 0 : i32
    return %c0_i32, %c0_i32_0 : i32, i32
  }
  func.func @transform_11(%arg0: i32) -> (i32, i32) {
    %c0_i32 = arith.constant 0 : i32
    %c0_i32_0 = arith.constant 0 : i32
    %c0_i32_1 = arith.constant 0 : i32
    return %c0_i32, %c0_i32_0 : i32, i32
  }
  func.func @transform_12(%arg0: i32) -> (i32, i32) {
    %c0_i32 = arith.constant 0 : i32
    %c0_i32_0 = arith.constant 0 : i32
    %c0_i32_1 = arith.constant 0 : i32
    return %c0_i32, %c0_i32_0 : i32, i32
  }
  func.func @transform_13(%arg0: i32) -> (i32, i32) {
    %c0_i32 = arith.constant 0 : i32
    %c0_i32_0 = arith.constant 0 : i32
    %c0_i32_1 = arith.constant 0 : i32
    return %c0_i32, %c0_i32_0 : i32, i32
  }
  func.func @transform_14(%arg0: i32) -> (i32, i32) {
    %c0_i32 = arith.constant 0 : i32
    %c0_i32_0 = arith.constant 0 : i32
    return %arg0, %c0_i32 : i32, i32
  }
  func.func @transform_15(%arg0: i32) -> (i32, i32) {
    %c0_i32 = arith.constant 0 : i32
    %c0_i32_0 = arith.constant 0 : i32
    %c0_i32_1 = arith.constant 0 : i32
    return %c0_i32, %c0_i32_0 : i32, i32
  }
}

module attributes {stable_mosaic.version = 14 : i64} {
  func.func @_final_kernel(%arg0: i32, %arg1: memref<1000x128xf32, #tpu.memory_space<vmem>>, %arg2: memref<1000x1024xf32, #tpu.memory_space<vmem>>, %arg3: memref<1000x256xf32, #tpu.memory_space<vmem>>, %arg4: memref<1000x16xf32, #tpu.memory_space<vmem>>, %arg5: memref<16x256xf32, #tpu.memory_space<vmem>>, %arg6: memref<1x256xf32, #tpu.memory_space<vmem>>, %arg7: memref<1x256xf32, #tpu.memory_space<vmem>>, %arg8: memref<256x1024xf32, #tpu.memory_space<vmem>>, %arg9: memref<1x1024xf32, #tpu.memory_space<vmem>>, %arg10: memref<1x128xf32, #tpu.memory_space<vmem>>, %arg11: memref<1x128xf32, #tpu.memory_space<vmem>>, %arg12: memref<128x128xf32, #tpu.memory_space<vmem>>, %arg13: memref<1x128xf32, #tpu.memory_space<vmem>>, %arg14: memref<128x128xf32, #tpu.memory_space<vmem>>, %arg15: memref<128x1024xf32, #tpu.memory_space<vmem>>, %arg16: memref<1024x64xf32, #tpu.memory_space<vmem>>, %arg17: memref<1000x64xf32, #tpu.memory_space<vmem>>) attributes {dimension_semantics = [#tpu.dimension_semantics<arbitrary>], iteration_bounds = array<i64: 50>, scalar_prefetch = 0 : i64, scratch_operands = 0 : i64, tpu.core_type = #tpu.core_type<tc>, window_params = [{transform_indices = @transform_0, window_bounds = array<i64: 1000, 128>}, {transform_indices = @transform_1, window_bounds = array<i64: 1000, 1024>}, {transform_indices = @transform_2, window_bounds = array<i64: 1000, 256>}, {transform_indices = @transform_3, window_bounds = array<i64: 1000, 16>}, {pipeline_mode = #tpu.pipeline_mode<synchronous>, transform_indices = @transform_4, window_bounds = array<i64: 16, 256>}, {pipeline_mode = #tpu.pipeline_mode<synchronous>, transform_indices = @transform_5, window_bounds = array<i64: 1, 256>}, {pipeline_mode = #tpu.pipeline_mode<synchronous>, transform_indices = @transform_6, window_bounds = array<i64: 1, 256>}, {pipeline_mode = #tpu.pipeline_mode<synchronous>, transform_indices = @transform_7, window_bounds = array<i64: 256, 1024>}, {pipeline_mode = #tpu.pipeline_mode<synchronous>, transform_indices = @transform_8, window_bounds = array<i64: 1, 1024>}, {pipeline_mode = #tpu.pipeline_mode<synchronous>, transform_indices = @transform_9, window_bounds = array<i64: 1, 128>}, {pipeline_mode = #tpu.pipeline_mode<synchronous>, transform_indices = @transform_10, window_bounds = array<i64: 1, 128>}, {pipeline_mode = #tpu.pipeline_mode<synchronous>, transform_indices = @transform_11, window_bounds = array<i64: 128, 128>}, {pipeline_mode = #tpu.pipeline_mode<synchronous>, transform_indices = @transform_12, window_bounds = array<i64: 1, 128>}, {pipeline_mode = #tpu.pipeline_mode<synchronous>, transform_indices = @transform_13, window_bounds = array<i64: 128, 128>}, {pipeline_mode = #tpu.pipeline_mode<synchronous>, transform_indices = @transform_14, window_bounds = array<i64: 128, 1024>}, {pipeline_mode = #tpu.pipeline_mode<synchronous>, transform_indices = @transform_15, window_bounds = array<i64: 1024, 64>}, {transform_indices = @transform_16, window_bounds = array<i64: 1000, 64>}]} {
    %get3A = arith.constant 0 : index
    %get3A_0 = arith.constant 0 : index
    %get3A_1 = vector.load %arg1[%get3A, %get3A_0] : memref<1000x128xf32, #tpu.memory_space<vmem>>, vector<1000x128xf32>
    %get3A_2 = arith.constant 0 : index
    %get3A_3 = arith.constant 0 : index
    %get3A_4 = vector.load %arg10[%get3A_2, %get3A_3] : memref<1x128xf32, #tpu.memory_space<vmem>>, vector<1x128xf32>
    %mul3A = vector.broadcast %get3A_4 : vector<1x128xf32> to vector<1000x128xf32>
    %mul3A_5 = arith.mulf %get3A_1, %mul3A : vector<1000x128xf32>
    %get3A_6 = arith.constant 0 : index
    %get3A_7 = arith.constant 0 : index
    %get3A_8 = vector.load %arg11[%get3A_6, %get3A_7] : memref<1x128xf32, #tpu.memory_space<vmem>>, vector<1x128xf32>
    %add3A = vector.broadcast %get3A_8 : vector<1x128xf32> to vector<1000x128xf32>
    %add3A_9 = arith.addf %mul3A_5, %add3A : vector<1000x128xf32>
    %max3A = arith.constant 0.000000e+00 : f32
    %max3A_10 = vector.broadcast %max3A : f32 to vector<1000x128xf32>
    %max3A_11 = arith.maximumf %add3A_9, %max3A_10 : vector<1000x128xf32>
    %get3A_12 = arith.constant 0 : index
    %get3A_13 = arith.constant 0 : index
    %get3A_14 = vector.load %arg12[%get3A_12, %get3A_13] : memref<128x128xf32, #tpu.memory_space<vmem>>, vector<128x128xf32>
    %dot_general3A = arith.constant dense<0.000000e+00> : vector<1000x128xf32>
    %dot_general3A_15 = tpu.matmul %max3A_11, %get3A_14, %dot_general3A {dimension_numbers = #tpu.dot_dimension_numbers<[1], [0], [0], [1], [0, 0, 1, 1], [], []>, transpose_lhs_hint = false} : vector<1000x128xf32>, vector<128x128xf32>, vector<1000x128xf32> -> vector<1000x128xf32>
    %get3A_16 = arith.constant 0 : index
    %get3A_17 = arith.constant 0 : index
    %get3A_18 = vector.load %arg13[%get3A_16, %get3A_17] : memref<1x128xf32, #tpu.memory_space<vmem>>, vector<1x128xf32>
    %add3A_19 = vector.broadcast %get3A_18 : vector<1x128xf32> to vector<1000x128xf32>
    %add3A_20 = arith.addf %dot_general3A_15, %add3A_19 : vector<1000x128xf32>
    %exp3A = math.exp %add3A_20 : vector<1000x128xf32>
    %get3A_21 = arith.constant 0 : index
    %get3A_22 = arith.constant 0 : index
    %get3A_23 = vector.load %arg14[%get3A_21, %get3A_22] : memref<128x128xf32, #tpu.memory_space<vmem>>, vector<128x128xf32>
    %dot_general3A_24 = arith.constant dense<0.000000e+00> : vector<1000x128xf32>
    %dot_general3A_25 = tpu.matmul %exp3A, %get3A_23, %dot_general3A_24 {dimension_numbers = #tpu.dot_dimension_numbers<[1], [0], [0], [1], [0, 0, 1, 1], [], []>, transpose_lhs_hint = false} : vector<1000x128xf32>, vector<128x128xf32>, vector<1000x128xf32> -> vector<1000x128xf32>
    %div3A = arith.divf %exp3A, %dot_general3A_25 : vector<1000x128xf32>
    %get3A_26 = arith.constant 0 : index
    %get3A_27 = arith.constant 0 : index
    %get3A_28 = vector.load %arg15[%get3A_26, %get3A_27] : memref<128x1024xf32, #tpu.memory_space<vmem>>, vector<128x1024xf32>
    %dot_general3A_29 = arith.constant dense<0.000000e+00> : vector<1000x1024xf32>
    %dot_general3A_30 = tpu.matmul %div3A, %get3A_28, %dot_general3A_29 {dimension_numbers = #tpu.dot_dimension_numbers<[1], [0], [0], [1], [0, 0, 1, 1], [], []>, transpose_lhs_hint = false} : vector<1000x128xf32>, vector<128x1024xf32>, vector<1000x1024xf32> -> vector<1000x1024xf32>
    %get3A_31 = arith.constant 0 : index
    %get3A_32 = arith.constant 0 : index
    %get3A_33 = vector.load %arg3[%get3A_31, %get3A_32] : memref<1000x256xf32, #tpu.memory_space<vmem>>, vector<1000x256xf32>
    %get3A_34 = arith.constant 0 : index
    %get3A_35 = arith.constant 0 : index
    %get3A_36 = vector.load %arg4[%get3A_34, %get3A_35] : memref<1000x16xf32, #tpu.memory_space<vmem>>, vector<1000x16xf32>
    %get3A_37 = arith.constant 0 : index
    %get3A_38 = arith.constant 0 : index
    %get3A_39 = vector.load %arg5[%get3A_37, %get3A_38] : memref<16x256xf32, #tpu.memory_space<vmem>>, vector<16x256xf32>
    %get3A_40 = arith.constant 0 : index
    %get3A_41 = arith.constant 0 : index
    %get3A_42 = vector.load %arg6[%get3A_40, %get3A_41] : memref<1x256xf32, #tpu.memory_space<vmem>>, vector<1x256xf32>
    %get3A_43 = arith.constant 0 : index
    %get3A_44 = arith.constant 0 : index
    %get3A_45 = vector.load %arg7[%get3A_43, %get3A_44] : memref<1x256xf32, #tpu.memory_space<vmem>>, vector<1x256xf32>
    %get3A_46 = arith.constant 0 : index
    %get3A_47 = arith.constant 0 : index
    %get3A_48 = vector.load %arg8[%get3A_46, %get3A_47] : memref<256x1024xf32, #tpu.memory_space<vmem>>, vector<256x1024xf32>
    %get3A_49 = arith.constant 0 : index
    %get3A_50 = arith.constant 0 : index
    %get3A_51 = vector.load %arg9[%get3A_49, %get3A_50] : memref<1x1024xf32, #tpu.memory_space<vmem>>, vector<1x1024xf32>
    %dot_general3A_52 = arith.constant dense<0.000000e+00> : vector<1000x256xf32>
    %dot_general3A_53 = tpu.matmul %get3A_36, %get3A_39, %dot_general3A_52 {dimension_numbers = #tpu.dot_dimension_numbers<[1], [0], [0], [1], [0, 0, 1, 1], [], []>, transpose_lhs_hint = false} : vector<1000x16xf32>, vector<16x256xf32>, vector<1000x256xf32> -> vector<1000x256xf32>
    %sub3A = arith.subf %get3A_33, %dot_general3A_53 : vector<1000x256xf32>
    %mul3A_54 = vector.broadcast %get3A_42 : vector<1x256xf32> to vector<1000x256xf32>
    %mul3A_55 = arith.mulf %sub3A, %mul3A_54 : vector<1000x256xf32>
    %add3A_56 = vector.broadcast %get3A_45 : vector<1x256xf32> to vector<1000x256xf32>
    %add3A_57 = arith.addf %mul3A_55, %add3A_56 : vector<1000x256xf32>
    %max3A_58 = arith.constant 0.000000e+00 : f32
    %max3A_59 = vector.broadcast %max3A_58 : f32 to vector<1000x256xf32>
    %max3A_60 = arith.maximumf %add3A_57, %max3A_59 : vector<1000x256xf32>
    %dot_general3A_61 = arith.constant dense<0.000000e+00> : vector<1000x1024xf32>
    %dot_general3A_62 = tpu.matmul %max3A_60, %get3A_48, %dot_general3A_61 {dimension_numbers = #tpu.dot_dimension_numbers<[1], [0], [0], [1], [0, 0, 1, 1], [], []>, transpose_lhs_hint = false} : vector<1000x256xf32>, vector<256x1024xf32>, vector<1000x1024xf32> -> vector<1000x1024xf32>
    %add3A_63 = vector.broadcast %get3A_51 : vector<1x1024xf32> to vector<1000x1024xf32>
    %add3A_64 = arith.addf %dot_general3A_62, %add3A_63 : vector<1000x1024xf32>
    %get3A_65 = arith.constant 0 : index
    %get3A_66 = arith.constant 0 : index
    %get3A_67 = vector.load %arg2[%get3A_65, %get3A_66] : memref<1000x1024xf32, #tpu.memory_space<vmem>>, vector<1000x1024xf32>
    %add3A_68 = arith.addf %get3A_67, %add3A_64 : vector<1000x1024xf32>
    %mul3A_69 = arith.mulf %add3A_68, %dot_general3A_30 : vector<1000x1024xf32>
    %get3A_70 = arith.constant 0 : index
    %get3A_71 = arith.constant 0 : index
    %get3A_72 = vector.load %arg16[%get3A_70, %get3A_71] : memref<1024x64xf32, #tpu.memory_space<vmem>>, vector<1024x64xf32>
    %dot_general3A_73 = arith.constant dense<0.000000e+00> : vector<1000x64xf32>
    %dot_general3A_74 = tpu.matmul %mul3A_69, %get3A_72, %dot_general3A_73 {dimension_numbers = #tpu.dot_dimension_numbers<[1], [0], [0], [1], [0, 0, 1, 1], [], []>, transpose_lhs_hint = false} : vector<1000x1024xf32>, vector<1024x64xf32>, vector<1000x64xf32> -> vector<1000x64xf32>
    %swap3A = arith.constant 0 : index
    %swap3A_75 = arith.constant 0 : index
    %swap3A_76 = vector.load %arg17[%swap3A, %swap3A_75] : memref<1000x64xf32, #tpu.memory_space<vmem>>, vector<1000x64xf32>
    tpu.vector_store %arg17[%swap3A, %swap3A_75], %dot_general3A_74 {strides = array<i32>} : memref<1000x64xf32, #tpu.memory_space<vmem>>, vector<1000x64xf32>,
    return
  }
  func.func @transform_0(%arg0: i32) -> (i32, i32) {
    %c0_i32 = arith.constant 0 : i32
    %c0_i32_0 = arith.constant 0 : i32
    return %arg0, %c0_i32 : i32, i32
  }
  func.func @transform_1(%arg0: i32) -> (i32, i32) {
    %c0_i32 = arith.constant 0 : i32
    %c0_i32_0 = arith.constant 0 : i32
    return %arg0, %c0_i32 : i32, i32
  }
  func.func @transform_2(%arg0: i32) -> (i32, i32) {
    %c0_i32 = arith.constant 0 : i32
    %c0_i32_0 = arith.constant 0 : i32
    return %arg0, %c0_i32 : i32, i32
  }
  func.func @transform_3(%arg0: i32) -> (i32, i32) {
    %c0_i32 = arith.constant 0 : i32
    %c0_i32_0 = arith.constant 0 : i32
    return %arg0, %c0_i32 : i32, i32
  }
  func.func @transform_4(%arg0: i32) -> (i32, i32) {
    %c0_i32 = arith.constant 0 : i32
    %c0_i32_0 = arith.constant 0 : i32
    %c0_i32_1 = arith.constant 0 : i32
    return %c0_i32, %c0_i32_0 : i32, i32
  }
  func.func @transform_5(%arg0: i32) -> (i32, i32) {
    %c0_i32 = arith.constant 0 : i32
    %c0_i32_0 = arith.constant 0 : i32
    %c0_i32_1 = arith.constant 0 : i32
    return %c0_i32, %c0_i32_0 : i32, i32
  }
  func.func @transform_6(%arg0: i32) -> (i32, i32) {
    %c0_i32 = arith.constant 0 : i32
    %c0_i32_0 = arith.constant 0 : i32
    %c0_i32_1 = arith.constant 0 : i32
    return %c0_i32, %c0_i32_0 : i32, i32
  }
  func.func @transform_7(%arg0: i32) -> (i32, i32) {
    %c0_i32 = arith.constant 0 : i32
    %c0_i32_0 = arith.constant 0 : i32
    %c0_i32_1 = arith.constant 0 : i32
    return %c0_i32, %c0_i32_0 : i32, i32
  }
  func.func @transform_8(%arg0: i32) -> (i32, i32) {
    %c0_i32 = arith.constant 0 : i32
    %c0_i32_0 = arith.constant 0 : i32
    %c0_i32_1 = arith.constant 0 : i32
    return %c0_i32, %c0_i32_0 : i32, i32
  }
  func.func @transform_9(%arg0: i32) -> (i32, i32) {
    %c0_i32 = arith.constant 0 : i32
    %c0_i32_0 = arith.constant 0 : i32
    %c0_i32_1 = arith.constant 0 : i32
    return %c0_i32, %c0_i32_0 : i32, i32
  }
  func.func @transform_10(%arg0: i32) -> (i32, i32) {
    %c0_i32 = arith.constant 0 : i32
    %c0_i32_0 = arith.constant 0 : i32
    %c0_i32_1 = arith.constant 0 : i32
    return %c0_i32, %c0_i32_0 : i32, i32
  }
  func.func @transform_11(%arg0: i32) -> (i32, i32) {
    %c0_i32 = arith.constant 0 : i32
    %c0_i32_0 = arith.constant 0 : i32
    %c0_i32_1 = arith.constant 0 : i32
    return %c0_i32, %c0_i32_0 : i32, i32
  }
  func.func @transform_12(%arg0: i32) -> (i32, i32) {
    %c0_i32 = arith.constant 0 : i32
    %c0_i32_0 = arith.constant 0 : i32
    %c0_i32_1 = arith.constant 0 : i32
    return %c0_i32, %c0_i32_0 : i32, i32
  }
  func.func @transform_13(%arg0: i32) -> (i32, i32) {
    %c0_i32 = arith.constant 0 : i32
    %c0_i32_0 = arith.constant 0 : i32
    %c0_i32_1 = arith.constant 0 : i32
    return %c0_i32, %c0_i32_0 : i32, i32
  }
  func.func @transform_14(%arg0: i32) -> (i32, i32) {
    %c0_i32 = arith.constant 0 : i32
    %c0_i32_0 = arith.constant 0 : i32
    %c0_i32_1 = arith.constant 0 : i32
    return %c0_i32, %c0_i32_0 : i32, i32
  }
  func.func @transform_15(%arg0: i32) -> (i32, i32) {
    %c0_i32 = arith.constant 0 : i32
    %c0_i32_0 = arith.constant 0 : i32
    %c0_i32_1 = arith.constant 0 : i32
    return %c0_i32, %c0_i32_0 : i32, i32
  }
  func.func @transform_16(%arg0: i32) -> (i32, i32) {
    %c0_i32 = arith.constant 0 : i32
    %c0_i32_0 = arith.constant 0 : i32
    return %arg0, %c0_i32 : i32, i32
  }
}

</mosaic_0001>

<sc_bundles>
// kernel: kernel.10.cloned.1.call-start
scs
__scs_entry_jumppad:
0x0: {  	(pc) =	sbr.rel $0x88, $3  }
0x1: {  	(tag) =	ssettag $0x0;
	lr =	simm.s32 $0x1  }
0x2: {  	[smem:$0x3F8A] =	sst lr;
	_ =	strace $0xD0000000  }
0x3: {  	_ = 	snop  }
0x4: {  	_ = 	snop  }
0x5: {  	_ = 	snop  }
0x6: {  	_ = 	snop  }
0x7: {  	_ = 	snop  }
__scs_overlays_trampoline_lowered:
0x8: {  	[smem:$0x3F99] =	sst s0  }
0x9: {  	[smem:$0x3F9A] =	sst s1  }
0xa: {  	[smem:$0x3F9B] =	sst s2  }
0xb: {  	[smem:$0x3F9C] =	sst s3  }
0xc: {  	[smem:$0x3F9D] =	sst s4  }
0xd: {  	[smem:$0x3F9E] =	sst s5  }
0xe: {  	[smem:$0x3F9F] =	sst s6  }
0xf: {  	[smem:$0x3FA0] =	sst s7  }
0x10: {  	[smem:$0x3FA1] =	sst s8  }
0x11: {  	[smem:$0x3FA2] =	sst s9;
	s0 =	simm.s32 @!p0 $0x0  }
0x12: {  	s1 =	sld [smem:$0x3F88];
	s0 =	simm.s32 @p0 $0x1  }
0x13: {  	[smem:$0x3FA3] =	sst s0;
	s0 =	simm.s32 @!p1 $0x0  }
0x14: {  	s2 =	sld [smem:$0x3F87];
	s0 =	simm.s32 @p1 $0x1  }
0x15: {  	[smem:$0x3FA4] =	sst s0;
	s0 =	simm.s32 @!p2 $0x0  }
0x16: {  	s3 =	sld [smem:$0x3FDB];
	s0 =	simm.s32 @p2 $0x1  }
0x17: {  	s4 =	simm.s32 $0x1BF5;
	[smem:$0x3FA6] =	sst s0  }
0x18: {  	s0 =	sld [smem:$0x3F89];
	_ =	swait.ge [sflag:s4], $0x0  }
0x19: {  	s7 =	sld [smem:$0x3F8A]  }
0x1a: {  	s8 =	sadd.s32 $0xFFFFE003, lr  }
0x1b: {  	s9 =	sadd.s32 $0xFFFFFEF7, lr;
	s5 =	simm.s32 $0xFFFFFFFF;
	p2 =	slt.u32 s8, $0xFFFFF086  }
0x1c: {  	p1 =	slt.u32 s9, $0xF7A;
	s5 =	simm.s32 @!p2 $0x0  }
0x1d: {  	s5 =	simm.s32 @p1 $0x1;
	p0 =	seq.s32 s7, s2  }
0x1e: {  	s7 =	smul.u32 @!p0 $0xF7A, s2;
	p2 =	seq.s32 @!p0 s5, $0x0  }
0x1f: {  	s9 =	smul.u32 $0xF7A, s1;
	s8 =	simm.s32 @!p0 $0x1BF5;
	p2 =	por !p2, p0  }
0x20: {  	[sflag:s8] =	ssyncset.s32 @!p0 $0xFFFFF086;
	s6 =	sadd.s32 @!p0 s3, s7;
	s7 =	simm.s32 @!p0 $0x108  }
0x21: {  	s3 =	sadd.s32 s3, s9;
	s6 =	sadd.s32 @!p0 $0x88, s6;
	s7 =	simm.s32 @p2 $0x1082  }
0x22: {  	[simem:s7], [sflag:s8] =	dma.local @!p0 [hbm:s6], $0xF7A  }
0x23: {  	s9 =	sor.u32 $0xD0000000, s2;
	s6 =	simm.s32 $0x108;
	_ =	swait.ge @!p0 [sflag:s8], $0x0  }
0x24: {  	s3 =	sadd.s32 $0x88, s3;
	s6 =	simm.s32 @!p1 $0x1082;
	[sflag:s4] =	ssyncset.s32 $0xFFFFF086  }
0x25: {  	[simem:s6], [sflag:s4] =	dma.local [hbm:s3], $0xF7A  }
0x26: {  	[smem:$0x3F8A] =	sst s1;
	(tag) =	ssettag s2;
	_ =	strace s9  }
0x27: {  	s1 =	sld [smem:$0x3F9A]  }
0x28: {  	s2 =	sld [smem:$0x3F9B]  }
0x29: {  	s4 =	sld [smem:$0x3F9D]  }
0x2a: {  	p0 =	seq.s32 s5, $0x0;
	s5 =	sld [smem:$0x3F9E]  }
0x2b: {  	s6 =	sld [smem:$0x3F9F]  }
0x2c: {  	s7 =	sld [smem:$0x3FA0]  }
0x2d: {  	s3 =	simm.s32 $0x108;
	s8 =	sld [smem:$0x3FA1]  }
0x2e: {  	s3 =	simm.s32 @!p0 $0x1082;
	s9 =	sld [smem:$0x3FA2]  }
0x2f: {  	lr =	sadd.s32 s0, s3;
	s0 =	sld [smem:$0x3F99]  }
0x30: {  	s3 =	sld [smem:$0x3F9C]  }
0x31: {  	[smem:$0x3FA5] =	sst s10  }
0x32: {  	s10 =	sld [smem:$0x3FA3];
	_ =	sdelay $0x3  }
0x33: {  	p0 =	seq.s32 s10, $0x1;
	s10 =	sld [smem:$0x3FA5];
	_ =	sdelay $0x3  }
0x34: {  	[smem:$0x3FA5] =	sst s10  }
0x35: {  	s10 =	sld [smem:$0x3FA4];
	_ =	sdelay $0x3  }
0x36: {  	p1 =	seq.s32 s10, $0x1;
	s10 =	sld [smem:$0x3FA5];
	_ =	sdelay $0x3  }
0x37: {  	[smem:$0x3FA5] =	sst s10  }
0x38: {  	s10 =	sld [smem:$0x3FA6]  }
0x39: {  	_ = 	snop;
	(pc) =	sbr.ind lr, $3  }
0x3a: {  	_ = 	snop  }
0x3b: {  	_ = 	snop  }
0x3c: {  	p2 =	seq.s32 s10, $0x1;
	s10 =	sld [smem:$0x3FA5]  }
0x3d: {  	_ =	shalt  }
0x3e: {  	_ =	shalt  }
0x3f: {  	_ =	shalt  }
0x40: {  	_ =	shalt  }
0x41: {  	_ =	shalt  }
0x42: {  	_ =	shalt  }
0x43: {  	_ =	shalt  }
0x44: {  	_ =	shalt  }
0x45: {  	_ =	shalt  }
0x46: {  	_ =	shalt  }
0x47: {  	_ =	shalt  }
0x48: {  	_ =	shalt  }
0x49: {  	_ =	shalt  }
0x4a: {  	_ =	shalt  }
0x4b: {  	_ =	shalt  }
0x4c: {  	_ =	shalt  }
0x4d: {  	_ =	shalt  }
0x4e: {  	_ =	shalt  }
0x4f: {  	_ =	shalt  }
0x50: {  	_ =	shalt  }
0x51: {  	_ =	shalt  }
0x52: {  	_ =	shalt  }
0x53: {  	_ =	shalt  }
0x54: {  	_ =	shalt  }
0x55: {  	_ =	shalt  }
0x56: {  	_ =	shalt  }
0x57: {  	_ =	shalt  }
0x58: {  	_ =	shalt  }
0x59: {  	_ =	shalt  }
0x5a: {  	_ =	shalt  }
0x5b: {  	_ =	shalt  }
0x5c: {  	_ =	shalt  }
0x5d: {  	_ =	shalt  }
0x5e: {  	_ =	shalt  }
0x5f: {  	_ =	shalt  }
0x60: {  	_ =	shalt  }
0x61: {  	_ =	shalt  }
0x62: {  	_ =	shalt  }
0x63: {  	_ =	shalt  }
0x64: {  	_ =	shalt  }
0x65: {  	_ =	shalt  }
0x66: {  	_ =	shalt  }
0x67: {  	_ =	shalt  }
0x68: {  	_ =	shalt  }
0x69: {  	_ =	shalt  }
0x6a: {  	_ =	shalt  }
0x6b: {  	_ =	shalt  }
0x6c: {  	_ =	shalt  }
0x6d: {  	_ =	shalt  }
0x6e: {  	_ =	shalt  }
0x6f: {  	_ =	shalt  }
0x70: {  	_ =	shalt  }
0x71: {  	_ =	shalt  }
0x72: {  	_ =	shalt  }
0x73: {  	_ =	shalt  }
0x74: {  	_ =	shalt  }
0x75: {  	_ =	shalt  }
0x76: {  	_ =	shalt  }
0x77: {  	_ =	shalt  }
0x78: {  	_ =	shalt  }
0x79: {  	_ =	shalt  }
0x7a: {  	_ =	shalt  }
0x7b: {  	_ =	shalt  }
0x7c: {  	_ =	shalt  }
0x7d: {  	_ =	shalt  }
0x7e: {  	_ =	shalt  }
0x7f: {  	_ =	shalt  }
0x80: {  	_ =	shalt  }
0x81: {  	_ =	shalt  }
0x82: {  	_ =	shalt  }
0x83: {  	_ =	shalt  }
0x84: {  	_ =	shalt  }
0x85: {  	_ =	shalt  }
0x86: {  	_ =	shalt  }
0x87: {  	_ =	shalt  }
.Lfunc_end0:
.L_simem_size_0:
called_computation_lowered:
.L_overlay_start_0:
0x88: {  	s2 =	sld [smem:$0x3FD9]  }
0x89: {  	s3 =	sld [smem:$0x3FFE];
	_ =	sdelay $0x1  }
0x8a: {  	s1 =	srdreg.scid  }
0x8b: {  	s0 =	sand.u32 $0x1, s1  }
0x8c: {  	s17 =	sshll.u32 s0, $0xA;
	s2 =	sadd.s32 s3, s2  }
0x8d: {  	s2 =	sadd.s32 s2, s17  }
0x8e: {  	[smem:$0x3FB1] =	sst s2  }
0x8f: {  	_ = 	snop  }
0x90: {  	s2 =	sld [smem:$0x3FC6];
	(tm) =	ssettm $0x1  }
0x91: {  	s18 =	sld [smem:$0x3FFB];
	_ =	sdelay $0x3  }
0x92: {  	_ =	strace s18  }
0x93: {  	s3 =	sld [smem:$0x3FFC];
	_ =	sdelay $0x3  }
0x94: {  	_ =	strace s3  }
0x95: {  	s3 =	sld [smem:$0x3FFD];
	_ =	sdelay $0x3  }
0x96: {  	_ =	strace s3  }
0x97: {  	_ =	strace $0x8FFFFFFF  }
0x98: {  	s19 =	sld [smem:$0x3FDB];
	_ =	sdelay $0x1  }
0x99: {  	s4 =	simm.s32 $_scs_section_size  }
0x9a: {  	s5 =	simm.s32 $_size__tile_overlayer_lowered;
	s6 =	simm.s32 $_tile_overlayer_lowered  }
0x9b: {  	s22 =	simm.s32 $0x1BFF;
	s21 =	sshll.u32 s6, $0x1;
	s3 =	sadd.s32 s4, s19  }
0x9c: {  	s7 =	simm.s32 $0x0;
	s20 =	sshll.u32 s5, $0x1;
	s5 =	sadd.s32 s21, s3  }
0x9d: {  	[timem:s7], [sflag:s22] =	dma.local [hbm:s5], s20  }
0x9e: {  	_ =	swait.ge [sflag:s22], s20  }
0x9f: {  	s4 =	ssub.s32 $0x0, s20;
	[sflag:s22] =	ssyncset.done $0x0  }
0xa0: {  	[sflag:s22] =	ssyncadd.s32 s4;
	_ =	sdelay $0x1  }
0xa1: {  	s23 =	simm.s32 $0x1B8B  }
0xa2: {  	_ =	swait.ge [sflag:s23], $0x1  }
0xa3: {  	[sflag:s23] =	ssyncset.done $0x0  }
0xa4: {  	s25 =	simm.s32 $0x1B8E;
	s24 =	sld [smem:$0x3FFE];
	[sflag:s23] =	ssyncadd.s32 $0xFFFFFFFF  }
0xa5: {  	s26 =	simm.s32 $execute0_lowered;
	[smem:$0x3FD2] =	sst s25  }
0xa6: {  	s5 =	sshll.u32 s26, $0x1;
	_ =	strace $0x80000046;
	[dreg:$0x1] =	wrdreg $0xFFFFFFFF  }
0xa7: {  	s28 =	simm.s32 $_size_execute0_lowered;
	s3 =	sadd.s32 s3, s5;
	[dreg:$0x0] =	wrdreg $0x0  }
0xa8: {  	s5 =	sshll.u32 s28, $0x1;
	[dreg:$0x2] =	wrdreg s3  }
0xa9: {  	[dreg:$0x3] =	wrdreg s5  }
0xaa: {  	[dreg:$0x4] =	wrdreg $0xC0  }
0xab: {  	_ =	task [dreg:s7], $0x5FFFF  }
0xac: {  	[dreg:$0x1] =	wrdreg $0xFFFFFFFF  }
0xad: {  	[dreg:$0x0] =	wrdreg $0x60  }
0xae: {  	[dreg:$0x2] =	wrdreg s24  }
0xaf: {  	[dreg:$0x3] =	wrdreg s2  }
0xb0: {  	[dreg:$0x4] =	wrdreg $0x9  }
0xb1: {  	_ =	task.clear_ibuf [dreg:s7], $0x5FFFF;
	_ =	strace $0x90000046  }
0xb2: {  	s29 =	simm.s32 $0x9;
	_ =	strace $0x80000048  }
0xb3: {  	_ =	swait.ge [sflag:s29], $0x1  }
0xb4: {  	[sflag:s29] =	ssyncadd.s32 $0xFFFFFFFF  }
0xb5: {  	_ =	strace $0x90000048  }
0xb6: {  	_ =	sfence  }
0xb7: {  	s30 =	sld [smem:$0x0];
	_ =	sdelay $0x2  }
0xb8: {  	s31 =	sshll.u32 s1, $0xD;
	s1 =	sshrl.u32 s1, $0x2  }
0xb9: {  	s3 =	sand.u32 $0x4000, s31;
	s1 =	sadd.s32 s1, s30  }
0xba: {  	s0 =	sor.u32 s3, s0;
	s1 =	sshll.u32 s1, $0x11  }
0xbb: {  	s0 =	sor.u32 s1, s0  }
0xbc: {  	s0 =	sadd.s32 $0x8F2B, s0  }
0xbd: {  	[sflag:s0] =	ssyncadd.remote.s32 $0x1  }
0xbe: {  	_ =	sfence.sel $0xFFFF  }
0xbf: {  	[dreg:$0x0] =	wrdreg $0xFFFFFFFF;
	(pc) =	sbr.abs _section_cstart, $3  }
0xc0: {  	[dreg:$0x1] =	wrdreg $0xFFFFFFFF  }
0xc1: {  	_ =	task.clear_ibuf [dreg:s7], $0x2FFFF;
	_ =	strace $0x9FFFFFFF  }
0xc2: {  	(tm) =	ssettm $0x7FFFFFFF  }
0xc3: {  	_ =	shalt  }
tec
execute0_lowered:
.L_overlay_start_1:
0x0: {  	(tag) =	ssettag $0x1  }
0x1: {  	s1 =	srdreg.scid;
	s4 =	rddreg [dreg:$0x0]  }
0x2: {  	s0 =	stileid.u32;
	s2 =	rddreg [dreg:$0x1];
	s3 =	simm.s32 $0x0  }
0x3: {  	s5 =	sand.u32 $0x1, s1;
	s28 =	sshll.u32 s0, $0x1;
	s8 =	smul.u32 $0xC40, s0  }
0x4: {  	s11 =	simm.s32 $0x0;
	s6 =	sor.u32 s5, s28;
	s10 =	smul.u32 $0x620, s5  }
0x5: {  	[smem:$0x7FF] =	sst s3;
	s7 =	ssub.s32 $0x2, s5;
	s6 =	smul.u32 $0x620, s6  }
0x6: {  	s1 =	rddreg [dreg:$0x2];
	_ =	strace $0x80000047;
	s9 =	sshrl.u32 s7, $0x1  }
0x7: {  	s30 =	ssub.s32 s7, s9;
	s31 =	sadd.s32 s10, s8;
	s6 =	smin.u32 s6, $0xBD30  }
0x8: {  	s8 =	simm.s32 $0x1;
	s9 =	simm.s32 $0xC350;
	s6 =	sshll.u32 s6, $0x1  }
0x9: {  	s10 =	simm.s32 $0x12550;
	s7 =	smin.u32 s31, $0xBD30;
	s29 =	sadd.s32 s6, s4  }
0xa: {  	s6 =	smax.u32 s30, $0x1;
	s4 =	sadd.s32 $0x1A00, s29;
	s5 =	sadd.s32 $0x1A200, s29  }
.LBB2_1:
0xb: {  	[tilespmem:s3], [sflag:$0x1] =	stream.linear.gather [hbm4b:s2+s3], $0xC350, $0x38;
	[tilespmem:$0x18750] =	vst v63  }
0xc: {  	_ =	swait.ge [sflag:s8], $0xC350  }
0xd: {  	[sflag:s8] =	ssyncset.done $0x0  }
0xe: {  	[sflag:s8] =	ssyncadd.s32 $0xFFFF3CB0  }
0xf: {  	[tilespmem:s9], [sflag:$0x1] =	stream.linear.gather [hbm4b:s4+s3], $0x6200, $0x38;
	[tilespmem:$0x18750] =	vst v63  }
0x10: {  	_ =	swait.ge [sflag:s8], $0x6200  }
0x11: {  	[sflag:s8] =	ssyncset.done $0x0  }
0x12: {  	s12 =	simm.s32 $0x0;
	[sflag:s8] =	ssyncadd.s32 $0xFFFF9E00  }
0x13: {  	v0 =	vld [tilespmem:s12+$0xC350];
	_ =	sdelay $0x1  }
0x14: {  	v1 =	vmov s7;
	_ =	sdelay $0x4  }
0x15: {  	s13 =	simm.s32 $0x10;
	v1 =	vld.idx.msk [tilespmem:v1+s3+$0x0], $0xffff  }
0x16: {  	s16 =	simm.s32 $0x80;
	s15 =	smov.u32 s7;
	s14 =	smov.u32 s7;
	v2 =	vld.idx.msk [tilespmem:v0+s3+$0x0], $0xffff  }
.LBB2_2:
0x17: {  	p0 =	sne.s32 s16, $0x187C0;
	v3 =	vld [tilespmem:s13+$0xC350]  }
0x18: {  	s15 =	sadd.s32 $0x1, s15  }
0x19: {  	v4 =	vmov s15;
	_ =	sdelay $0x1  }
0x1a: {  	vm0 =	veq.s32 v2, v1  }
.Ltmp0:
0x1b: {  	v1 =	vnsel vm0, s14, v0;
	s14 =	smov.u32 s15;
	v0 =	vmov v3;
	(pc) =	sbr.rel @p0 .LBB2_2-.Ltmp0, $4  }
0x1c: {  	[tilespmem:s12+$0x12550] =	vst v1;
	s12 =	smov.u32 s13  }
0x1d: {  	v1 =	vld.idx.msk [tilespmem:v4+s3+$0x0], $0xffff  }
0x1e: {  	v2 =	vld.idx.msk [tilespmem:v3+s3+$0x0], $0xffff  }
0x1f: {  	s13 =	sshra.s32 s16, $0x2;
	s16 =	sadd.s32 $0x40, s16  }
0x20: {  	v3 =	vld [tilespmem:s13+$0xC350]  }
0x21: {  	s15 =	sadd.s32 $0x1, s15  }
0x22: {  	v4 =	vmov s15;
	_ =	sdelay $0x1  }
0x23: {  	vm0 =	veq.s32 v2, v1  }
0x24: {  	v0 =	vnsel vm0, s14, v0  }
0x25: {  	[tilespmem:s12+$0x12550] =	vst v0  }
0x26: {  	v0 =	vld.idx.msk [tilespmem:v4+s3+$0x0], $0xffff  }
0x27: {  	v63 =	vld.idx.msk [tilespmem:v3+s3+$0x0], $0xffff;
	_ =	sdelay $0x4  }
0x28: {  	s11 =	sadd.s32 $0x1, s11;
	vm15 =	veq.s32 v63, v0  }
0x29: {  	p0 =	sne.s32 s11, s6;
	v0 =	vnsel vm15, s15, v3  }
.Ltmp1:
0x2a: {  	[tilespmem:s13+$0x12550] =	vst v0;
	(pc) =	sbr.rel @p0 .LBB2_1-.Ltmp1, $4  }
0x2b: {  	[hbm4b:s5+s3] =	stream.linear.scatter [tilespmem:s10], [sflag:$0x1], $0x6200, $0x38;
	[tilespmem:$0x18750] =	vst v63  }
0x2c: {  	_ =	swait.ge [sflag:s8], $0x6200  }
0x2d: {  	[sflag:s8] =	ssyncset.done $0x0  }
0x2e: {  	[sflag:s8] =	ssyncadd.s32 $0xFFFF9E00  }
0x2f: {  	_ =	sfence.sel $0x180000  }
0x30: {  	[bflag:$0x0] =	sbarrier.arrive $0xFFFF  }
0x31: {  	p0 =	sne.s32 s0, $0x0;
	_ =	strace $0x90000047  }
0x32: {  	s0 =	sadd.s32 @!p0 $0x100000, s1;
	[bflag:$0x2] =	sbarrier.arrive $0xFFFF  }
0x33: {  	[sflag:s0] =	ssyncadd.tile.s32 @!p0 $0x1;
	_ =	shalt  }
.Lfunc_end2:
_tile_overlayer_lowered:
.L_overlay_start_2:
0x34: {  	(tag) =	ssettag $0x2  }
0x35: {  	s0 =	rddreg [dreg:$0x0];
	s2 =	stileid.u32  }
0x36: {  	s1 =	rddreg [dreg:$0x1];
	p0 =	sne.s32 s2, $0x0  }
0x37: {  	s3 =	rddreg [dreg:$0x2];
	[bflag:$0x3] =	sbarrier.arrive $0xFFFF;
	s2 =	simm.s32 @!p0 $0x1C01  }
0x38: {  	[timem:s3], [sflag:s2] =	dma.local @!p0 [hbm:s0], s1  }
0x39: {  	s0 =	simm.s32 @!p0 $0x1  }
0x3a: {  	_ =	swait.ge @!p0 [sflag:s0], s1  }
0x3b: {  	s1 =	ssub.s32 @!p0 $0x0, s1;
	[sflag:s0] =	ssyncset.done @!p0 $0x0  }
0x3c: {  	[sflag:s0] =	ssyncadd.s32 @!p0 s1  }
0x3d: {  	[bflag:$0x3] =	sbarrier.arrive $0xFFFF  }
0x3e: {  	_ =	shalt  }

// kernel: kernel.13.cloned.1.call-start
scs
__scs_entry_jumppad:
0x0: {  	(pc) =	sbr.rel $0x88, $3  }
0x1: {  	(tag) =	ssettag $0x0;
	lr =	simm.s32 $0x1  }
0x2: {  	[smem:$0x3F8A] =	sst lr;
	_ =	strace $0xD0000000  }
0x3: {  	_ = 	snop  }
0x4: {  	_ = 	snop  }
0x5: {  	_ = 	snop  }
0x6: {  	_ = 	snop  }
0x7: {  	_ = 	snop  }
__scs_overlays_trampoline_lowered:
0x8: {  	[smem:$0x3F99] =	sst s0  }
0x9: {  	[smem:$0x3F9A] =	sst s1  }
0xa: {  	[smem:$0x3F9B] =	sst s2  }
0xb: {  	[smem:$0x3F9C] =	sst s3  }
0xc: {  	[smem:$0x3F9D] =	sst s4  }
0xd: {  	[smem:$0x3F9E] =	sst s5  }
0xe: {  	[smem:$0x3F9F] =	sst s6  }
0xf: {  	[smem:$0x3FA0] =	sst s7  }
0x10: {  	[smem:$0x3FA1] =	sst s8  }
0x11: {  	[smem:$0x3FA2] =	sst s9;
	s0 =	simm.s32 @!p0 $0x0  }
0x12: {  	s1 =	sld [smem:$0x3F88];
	s0 =	simm.s32 @p0 $0x1  }
0x13: {  	[smem:$0x3FA3] =	sst s0;
	s0 =	simm.s32 @!p1 $0x0  }
0x14: {  	s2 =	sld [smem:$0x3F87];
	s0 =	simm.s32 @p1 $0x1  }
0x15: {  	[smem:$0x3FA4] =	sst s0;
	s0 =	simm.s32 @!p2 $0x0  }
0x16: {  	s3 =	sld [smem:$0x3FDB];
	s0 =	simm.s32 @p2 $0x1  }
0x17: {  	s4 =	simm.s32 $0x1BF5;
	[smem:$0x3FA6] =	sst s0  }
0x18: {  	s0 =	sld [smem:$0x3F89];
	_ =	swait.ge [sflag:s4], $0x0  }
0x19: {  	s7 =	sld [smem:$0x3F8A]  }
0x1a: {  	s8 =	sadd.s32 $0xFFFFE003, lr  }
0x1b: {  	s9 =	sadd.s32 $0xFFFFFEF7, lr;
	s5 =	simm.s32 $0xFFFFFFFF;
	p2 =	slt.u32 s8, $0xFFFFF086  }
0x1c: {  	p1 =	slt.u32 s9, $0xF7A;
	s5 =	simm.s32 @!p2 $0x0  }
0x1d: {  	s5 =	simm.s32 @p1 $0x1;
	p0 =	seq.s32 s7, s2  }
0x1e: {  	s7 =	smul.u32 @!p0 $0xF7A, s2;
	p2 =	seq.s32 @!p0 s5, $0x0  }
0x1f: {  	s9 =	smul.u32 $0xF7A, s1;
	s8 =	simm.s32 @!p0 $0x1BF5;
	p2 =	por !p2, p0  }
0x20: {  	[sflag:s8] =	ssyncset.s32 @!p0 $0xFFFFF086;
	s6 =	sadd.s32 @!p0 s3, s7;
	s7 =	simm.s32 @!p0 $0x108  }
0x21: {  	s3 =	sadd.s32 s3, s9;
	s6 =	sadd.s32 @!p0 $0x88, s6;
	s7 =	simm.s32 @p2 $0x1082  }
0x22: {  	[simem:s7], [sflag:s8] =	dma.local @!p0 [hbm:s6], $0xF7A  }
0x23: {  	s9 =	sor.u32 $0xD0000000, s2;
	s6 =	simm.s32 $0x108;
	_ =	swait.ge @!p0 [sflag:s8], $0x0  }
0x24: {  	s3 =	sadd.s32 $0x88, s3;
	s6 =	simm.s32 @!p1 $0x1082;
	[sflag:s4] =	ssyncset.s32 $0xFFFFF086  }
0x25: {  	[simem:s6], [sflag:s4] =	dma.local [hbm:s3], $0xF7A  }
0x26: {  	[smem:$0x3F8A] =	sst s1;
	(tag) =	ssettag s2;
	_ =	strace s9  }
0x27: {  	s1 =	sld [smem:$0x3F9A]  }
0x28: {  	s2 =	sld [smem:$0x3F9B]  }
0x29: {  	s4 =	sld [smem:$0x3F9D]  }
0x2a: {  	p0 =	seq.s32 s5, $0x0;
	s5 =	sld [smem:$0x3F9E]  }
0x2b: {  	s6 =	sld [smem:$0x3F9F]  }
0x2c: {  	s7 =	sld [smem:$0x3FA0]  }
0x2d: {  	s3 =	simm.s32 $0x108;
	s8 =	sld [smem:$0x3FA1]  }
0x2e: {  	s3 =	simm.s32 @!p0 $0x1082;
	s9 =	sld [smem:$0x3FA2]  }
0x2f: {  	lr =	sadd.s32 s0, s3;
	s0 =	sld [smem:$0x3F99]  }
0x30: {  	s3 =	sld [smem:$0x3F9C]  }
0x31: {  	[smem:$0x3FA5] =	sst s10  }
0x32: {  	s10 =	sld [smem:$0x3FA3];
	_ =	sdelay $0x3  }
0x33: {  	p0 =	seq.s32 s10, $0x1;
	s10 =	sld [smem:$0x3FA5];
	_ =	sdelay $0x3  }
0x34: {  	[smem:$0x3FA5] =	sst s10  }
0x35: {  	s10 =	sld [smem:$0x3FA4];
	_ =	sdelay $0x3  }
0x36: {  	p1 =	seq.s32 s10, $0x1;
	s10 =	sld [smem:$0x3FA5];
	_ =	sdelay $0x3  }
0x37: {  	[smem:$0x3FA5] =	sst s10  }
0x38: {  	s10 =	sld [smem:$0x3FA6]  }
0x39: {  	_ = 	snop;
	(pc) =	sbr.ind lr, $3  }
0x3a: {  	_ = 	snop  }
0x3b: {  	_ = 	snop  }
0x3c: {  	p2 =	seq.s32 s10, $0x1;
	s10 =	sld [smem:$0x3FA5]  }
0x3d: {  	_ =	shalt  }
0x3e: {  	_ =	shalt  }
0x3f: {  	_ =	shalt  }
0x40: {  	_ =	shalt  }
0x41: {  	_ =	shalt  }
0x42: {  	_ =	shalt  }
0x43: {  	_ =	shalt  }
0x44: {  	_ =	shalt  }
0x45: {  	_ =	shalt  }
0x46: {  	_ =	shalt  }
0x47: {  	_ =	shalt  }
0x48: {  	_ =	shalt  }
0x49: {  	_ =	shalt  }
0x4a: {  	_ =	shalt  }
0x4b: {  	_ =	shalt  }
0x4c: {  	_ =	shalt  }
0x4d: {  	_ =	shalt  }
0x4e: {  	_ =	shalt  }
0x4f: {  	_ =	shalt  }
0x50: {  	_ =	shalt  }
0x51: {  	_ =	shalt  }
0x52: {  	_ =	shalt  }
0x53: {  	_ =	shalt  }
0x54: {  	_ =	shalt  }
0x55: {  	_ =	shalt  }
0x56: {  	_ =	shalt  }
0x57: {  	_ =	shalt  }
0x58: {  	_ =	shalt  }
0x59: {  	_ =	shalt  }
0x5a: {  	_ =	shalt  }
0x5b: {  	_ =	shalt  }
0x5c: {  	_ =	shalt  }
0x5d: {  	_ =	shalt  }
0x5e: {  	_ =	shalt  }
0x5f: {  	_ =	shalt  }
0x60: {  	_ =	shalt  }
0x61: {  	_ =	shalt  }
0x62: {  	_ =	shalt  }
0x63: {  	_ =	shalt  }
0x64: {  	_ =	shalt  }
0x65: {  	_ =	shalt  }
0x66: {  	_ =	shalt  }
0x67: {  	_ =	shalt  }
0x68: {  	_ =	shalt  }
0x69: {  	_ =	shalt  }
0x6a: {  	_ =	shalt  }
0x6b: {  	_ =	shalt  }
0x6c: {  	_ =	shalt  }
0x6d: {  	_ =	shalt  }
0x6e: {  	_ =	shalt  }
0x6f: {  	_ =	shalt  }
0x70: {  	_ =	shalt  }
0x71: {  	_ =	shalt  }
0x72: {  	_ =	shalt  }
0x73: {  	_ =	shalt  }
0x74: {  	_ =	shalt  }
0x75: {  	_ =	shalt  }
0x76: {  	_ =	shalt  }
0x77: {  	_ =	shalt  }
0x78: {  	_ =	shalt  }
0x79: {  	_ =	shalt  }
0x7a: {  	_ =	shalt  }
0x7b: {  	_ =	shalt  }
0x7c: {  	_ =	shalt  }
0x7d: {  	_ =	shalt  }
0x7e: {  	_ =	shalt  }
0x7f: {  	_ =	shalt  }
0x80: {  	_ =	shalt  }
0x81: {  	_ =	shalt  }
0x82: {  	_ =	shalt  }
0x83: {  	_ =	shalt  }
0x84: {  	_ =	shalt  }
0x85: {  	_ =	shalt  }
0x86: {  	_ =	shalt  }
0x87: {  	_ =	shalt  }
.Lfunc_end0:
.L_simem_size_0:
called_computation.1_lowered:
.L_overlay_start_0:
0x88: {  	s2 =	sld [smem:$0x3FD9]  }
0x89: {  	s3 =	sld [smem:$0x3FFE];
	_ =	sdelay $0x1  }
0x8a: {  	s1 =	srdreg.scid  }
0x8b: {  	s0 =	sand.u32 $0x1, s1  }
0x8c: {  	s17 =	sshll.u32 s0, $0xA;
	s2 =	sadd.s32 s3, s2  }
0x8d: {  	s2 =	sadd.s32 s2, s17  }
0x8e: {  	[smem:$0x3FB1] =	sst s2  }
0x8f: {  	_ = 	snop  }
0x90: {  	s2 =	sld [smem:$0x3FD0];
	(tm) =	ssettm $0x1  }
0x91: {  	s18 =	sld [smem:$0x3FFB];
	_ =	sdelay $0x3  }
0x92: {  	_ =	strace s18  }
0x93: {  	s3 =	sld [smem:$0x3FFC];
	_ =	sdelay $0x3  }
0x94: {  	_ =	strace s3  }
0x95: {  	s3 =	sld [smem:$0x3FFD];
	_ =	sdelay $0x3  }
0x96: {  	_ =	strace s3  }
0x97: {  	_ =	strace $0x8FFFFFFF  }
0x98: {  	s19 =	sld [smem:$0x3FDB];
	_ =	sdelay $0x1  }
0x99: {  	s4 =	simm.s32 $_scs_section_size  }
0x9a: {  	s5 =	simm.s32 $_size__tile_overlayer_lowered;
	s6 =	simm.s32 $_tile_overlayer_lowered  }
0x9b: {  	s22 =	simm.s32 $0x1BFF;
	s21 =	sshll.u32 s6, $0x1;
	s3 =	sadd.s32 s4, s19  }
0x9c: {  	s7 =	simm.s32 $0x0;
	s20 =	sshll.u32 s5, $0x1;
	s5 =	sadd.s32 s21, s3  }
0x9d: {  	[timem:s7], [sflag:s22] =	dma.local [hbm:s5], s20  }
0x9e: {  	_ =	swait.ge [sflag:s22], s20  }
0x9f: {  	s4 =	ssub.s32 $0x0, s20;
	[sflag:s22] =	ssyncset.done $0x0  }
0xa0: {  	[sflag:s22] =	ssyncadd.s32 s4;
	_ =	sdelay $0x1  }
0xa1: {  	s23 =	simm.s32 $0x1B8B  }
0xa2: {  	_ =	swait.ge [sflag:s23], $0x1  }
0xa3: {  	[sflag:s23] =	ssyncset.done $0x0  }
0xa4: {  	s25 =	simm.s32 $0x1B8E;
	s24 =	sld [smem:$0x3FFE];
	[sflag:s23] =	ssyncadd.s32 $0xFFFFFFFF  }
0xa5: {  	s26 =	simm.s32 $execute0_lowered;
	[smem:$0x3FD2] =	sst s25  }
0xa6: {  	s5 =	sshll.u32 s26, $0x1;
	_ =	strace $0x80000049;
	[dreg:$0x1] =	wrdreg $0xFFFFFFFF  }
0xa7: {  	s28 =	simm.s32 $_size_execute0_lowered;
	s3 =	sadd.s32 s3, s5;
	[dreg:$0x0] =	wrdreg $0x0  }
0xa8: {  	s5 =	sshll.u32 s28, $0x1;
	[dreg:$0x2] =	wrdreg s3  }
0xa9: {  	[dreg:$0x3] =	wrdreg s5  }
0xaa: {  	[dreg:$0x4] =	wrdreg $0xC0  }
0xab: {  	_ =	task [dreg:s7], $0x5FFFF  }
0xac: {  	[dreg:$0x1] =	wrdreg $0xFFFFFFFF  }
0xad: {  	[dreg:$0x0] =	wrdreg $0x60  }
0xae: {  	[dreg:$0x2] =	wrdreg s24  }
0xaf: {  	[dreg:$0x3] =	wrdreg s2  }
0xb0: {  	[dreg:$0x4] =	wrdreg $0x9  }
0xb1: {  	_ =	task.clear_ibuf [dreg:s7], $0x5FFFF;
	_ =	strace $0x90000049  }
0xb2: {  	s29 =	simm.s32 $0x9;
	_ =	strace $0x8000004B  }
0xb3: {  	_ =	swait.ge [sflag:s29], $0x1  }
0xb4: {  	[sflag:s29] =	ssyncadd.s32 $0xFFFFFFFF  }
0xb5: {  	_ =	strace $0x9000004B  }
0xb6: {  	_ =	sfence  }
0xb7: {  	s30 =	sld [smem:$0x0];
	_ =	sdelay $0x2  }
0xb8: {  	s31 =	sshll.u32 s1, $0xD;
	s1 =	sshrl.u32 s1, $0x2  }
0xb9: {  	s3 =	sand.u32 $0x4000, s31;
	s1 =	sadd.s32 s1, s30  }
0xba: {  	s0 =	sor.u32 s3, s0;
	s1 =	sshll.u32 s1, $0x11  }
0xbb: {  	s0 =	sor.u32 s1, s0  }
0xbc: {  	s0 =	sadd.s32 $0x8F2B, s0  }
0xbd: {  	[sflag:s0] =	ssyncadd.remote.s32 $0x1  }
0xbe: {  	_ =	sfence.sel $0xFFFF  }
0xbf: {  	[dreg:$0x0] =	wrdreg $0xFFFFFFFF;
	(pc) =	sbr.abs _section_cstart, $3  }
0xc0: {  	[dreg:$0x1] =	wrdreg $0xFFFFFFFF  }
0xc1: {  	_ =	task.clear_ibuf [dreg:s7], $0x2FFFF;
	_ =	strace $0x9FFFFFFF  }
0xc2: {  	(tm) =	ssettm $0x7FFFFFFF  }
0xc3: {  	_ =	shalt  }
tec
execute0_lowered:
.L_overlay_start_1:
0x0: {  	(tag) =	ssettag $0x1  }
0x1: {  	s0 =	srdreg.scid  }
0x2: {  	s4 =	stileid.u32;
	s6 =	rddreg [dreg:$0x0]  }
0x3: {  	s2 =	rddreg [dreg:$0x1];
	s3 =	simm.s32 $0x0;
	s13 =	simm.s32 $0x180  }
0x4: {  	s14 =	simm.s32 $0x6200;
	s15 =	simm.s32 $0x18200;
	s16 =	simm.s32 $0xC200  }
0x5: {  	s17 =	simm.s32 $0x19A00;
	s18 =	simm.s32 $0x1;
	s19 =	simm.s32 $0x4  }
0x6: {  	s20 =	simm.s32 $0x12200;
	s21 =	simm.s32 $0x1B200;
	s28 =	simm.s32 $0x6  }
0x7: {  	s29 =	simm.s32 $0x8;
	s30 =	simm.s32 $0xB;
	s0 =	sand.u32 $0x1, s0  }
0x8: {  	s1 =	sshll.u32 s4, $0x1;
	s7 =	smul.u32 $0xC40, s4;
	[smem:$0x7FF] =	sst s3  }
0x9: {  	s4 =	sadd.s32 $0x32A00, s6;
	s5 =	sadd.s32 $0x4C6E00, s6;
	s8 =	smul.u32 $0x620, s0  }
0xa: {  	s1 =	sor.u32 s0, s1;
	_ =	strace $0x8000004A;
	s0 =	ssub.s32 $0x2, s0  }
0xb: {  	s1 =	smul.u32 $0x620, s1;
	s23 =	sshrl.u32 s0, $0x1;
	s7 =	sadd.s32 s8, s7  }
0xc: {  	s0 =	ssub.s32 s0, s23;
	s23 =	simm.s32 $0x5;
	s8 =	simm.s32 $0x0  }
0xd: {  	s1 =	smin.u32 s1, $0xBD30;
	s10 =	smin.u32 s7, $0xBD30;
	s0 =	smax.u32 s0, $0x1  }
0xe: {  	s22 =	sshll.u32 s1, $0x1;
	s7 =	sshll.u32 s1, $0x4;
	s24 =	sshll.u32 s10, $0x7  }
.Ltmp0:
0xf: {  	s26 =	sshll.u32 s10, $0x5;
	[dreg:$0x4] =	wrdreg s0;
	(pc) =	sbr.rel .LBB2_1-.Ltmp0, $4  }
0x10: {  	s9 =	sadd.s32 s22, s6;
	s6 =	sadd.s32 $0x4B200, s6;
	s1 =	sadd.s32 s24, s5  }
0x11: {  	s22 =	simm.s32 $0x2;
	s24 =	simm.s32 $0x7;
	s25 =	sadd.s32 $0x1A200, s9  }
0x12: {  	s10 =	sadd.s32 s26, s6;
	s31 =	sadd.s32 $0xC00, s1;
	[dreg:$0x3] =	wrdreg s25  }
0x13: {  	s26 =	simm.s32 $0x3;
	[dreg:$0x5] =	wrdreg s31;
	s25 =	simm.s32 $0xA  }
.LBB2_4:
0x14: {  	s0 =	simm.s32 $0x9  }
0x15: {  	_ =	swait.ge [sflag:s0], $0x6000  }
0x16: {  	[sflag:s0] =	ssyncset.done $0x0  }
0x17: {  	s1 =	simm.s32 $0xC;
	[sflag:s0] =	ssyncadd.s32 $0xFFFFA000  }
0x18: {  	_ =	swait.ge [sflag:s1], $0x1800  }
0x19: {  	s8 =	rddreg [dreg:$0x6]  }
0x1a: {  	s31 =	rddreg [dreg:$0x4];
	s8 =	sadd.s32 $0x1, s8  }
0x1b: {  	p0 =	sne.s32 s8, s31  }
.Ltmp1:
0x1c: {  	_ = 	snop;
	(pc) =	sbr.rel @!p0 .LBB2_5-.Ltmp1, $3  }
0x1d: {  	_ =	sdelay $0x1  }
0x1e: {  	[sflag:s1] =	ssyncset.done $0x0  }
0x1f: {  	[sflag:s1] =	ssyncadd.s32 $0xFFFFE800  }
.LBB2_1:
0x20: {  	[dreg:$0x6] =	wrdreg s8  }
0x21: {  	s0 =	rddreg [dreg:$0x3];
	s31 =	simm.s32 $0xD  }
0x22: {  	[tilespmem:s3], [sflag:$0xD] =	stream.linear.gather [hbm4b:s0+s3], $0x6200, $0x38;
	[tilespmem:$0x1CA00] =	vst v63  }
0x23: {  	_ =	swait.ge [sflag:s31], $0x6200  }
0x24: {  	[sflag:s31] =	ssyncset.done $0x0  }
0x25: {  	[sflag:s31] =	ssyncadd.s32 $0xFFFF9E00  }
0x26: {  	[tilespmem:s14], [sflag:$0x1] =	stream.indirect.gather [hbm4b:s2+s13], $0x40, s3, s13, $0xb8;
	[tilespmem:$0x1CA00] =	vst v63  }
0x27: {  	_ = 	snop  }
0x28: {  	[tilespmem:s15], [sflag:$0x4] =	stream.indirect.gather [hbm4b:s4+s13], $0x10, s3, s13, $0xb8;
	[tilespmem:$0x1CA00] =	vst v63  }
0x29: {  	_ = 	snop  }
0x2a: {  	[tilespmem:s16], [sflag:$0x2] =	stream.indirect.gather [hbm4b:s2+s13], $0x40, s13, s13, $0xb8;
	[tilespmem:$0x1CA00] =	vst v63  }
0x2b: {  	s9 =	simm.s32 $0x0;
	s8 =	simm.s32 $0x0;
	s11 =	rddreg [dreg:$0x5]  }
0x2c: {  	[tilespmem:s17], [sflag:$0x5] =	stream.indirect.gather [hbm4b:s4+s13], $0x10, s13, s13, $0xb8;
	[tilespmem:$0x1CA00] =	vst v63  }
.LBB2_2:
0x2d: {  	_ =	swait.ge [sflag:s18], $0x6000  }
0x2e: {  	[sflag:s18] =	ssyncset.done $0x0  }
0x2f: {  	[sflag:s18] =	ssyncadd.s32 $0xFFFFA000  }
0x30: {  	_ =	swait.ge [sflag:s19], $0x1800  }
0x31: {  	[sflag:s19] =	ssyncset.done $0x0  }
0x32: {  	s12 =	sadd.s32 $0xFFFFF400, s11;
	p0 =	seq.s32 s9, $0x0;
	[sflag:s19] =	ssyncadd.s32 $0xFFFFE800  }
0x33: {  	[hbm4b:s12+s3] =	stream.linear.scatter [tilespmem:s14], [sflag:$0x7], $0x6000, $0x38;
	[tilespmem:$0x1CA00] =	vst v63  }
0x34: {  	s0 =	sadd.s32 s9, s10;
	s31 =	simm.s32 @!p0 $0x9  }
0x35: {  	[hbm4b:s0+s3] =	stream.linear.scatter [tilespmem:s15], [sflag:$0xA], $0x1800, $0x38;
	[tilespmem:$0x1CA00] =	vst v63  }
0x36: {  	_ =	swait.ge @!p0 [sflag:s31], $0x6000  }
0x37: {  	[sflag:s31] =	ssyncset.done @!p0 $0x0  }
0x38: {  	[sflag:s31] =	ssyncadd.s32 @!p0 $0xFFFFA000;
	s31 =	simm.s32 @!p0 $0xC  }
0x39: {  	_ =	swait.ge @!p0 [sflag:s31], $0x1800  }
0x3a: {  	s1 =	smin.u32 s8, $0x5D80;
	[sflag:s31] =	ssyncset.done @!p0 $0x0  }
0x3b: {  	s1 =	sadd.s32 $0x300, s1;
	[sflag:s31] =	ssyncadd.s32 @!p0 $0xFFFFE800  }
0x3c: {  	[tilespmem:s20], [sflag:$0x3] =	stream.indirect.gather [hbm4b:s2+s13], $0x40, s1, s13, $0xb8;
	[tilespmem:$0x1CA00] =	vst v63  }
0x3d: {  	_ = 	snop  }
0x3e: {  	[tilespmem:s21], [sflag:$0x6] =	stream.indirect.gather [hbm4b:s4+s13], $0x10, s1, s13, $0xb8;
	[tilespmem:$0x1CA00] =	vst v63  }
0x3f: {  	_ =	swait.ge [sflag:s22], $0x6000  }
0x40: {  	[sflag:s22] =	ssyncset.done $0x0  }
0x41: {  	[sflag:s22] =	ssyncadd.s32 $0xFFFFA000  }
0x42: {  	_ =	swait.ge [sflag:s23], $0x1800  }
0x43: {  	[sflag:s23] =	ssyncset.done $0x0  }
0x44: {  	[sflag:s23] =	ssyncadd.s32 $0xFFFFE800  }
0x45: {  	[hbm4b:s11+s3] =	stream.linear.scatter [tilespmem:s16], [sflag:$0x8], $0x6000, $0x38;
	[tilespmem:$0x1CA00] =	vst v63  }
0x46: {  	s12 =	sadd.s32 $0x300, s0  }
0x47: {  	[hbm4b:s12+s3] =	stream.linear.scatter [tilespmem:s17], [sflag:$0xB], $0x1800, $0x38;
	[tilespmem:$0x1CA00] =	vst v63  }
0x48: {  	_ =	swait.ge [sflag:s24], $0x6000  }
0x49: {  	[sflag:s24] =	ssyncset.done $0x0  }
0x4a: {  	[sflag:s24] =	ssyncadd.s32 $0xFFFFA000  }
0x4b: {  	p0 =	seq.s32 s9, $0xBD00;
	_ =	swait.ge [sflag:s25], $0x1800  }
0x4c: {  	s31 =	simm.s32 @!p0 $0x180;
	s12 =	smin.u32 @!p0 s8, $0x5C00;
	[sflag:s25] =	ssyncset.done $0x0  }
0x4d: {  	s0 =	simm.s32 @!p0 $0x6200;
	s12 =	sadd.s32 @!p0 $0x480, s12;
	[sflag:s25] =	ssyncadd.s32 $0xFFFFE800  }
0x4e: {  	[tilespmem:s0], [sflag:$0x1] =	stream.indirect.gather @!p0 [hbm4b:s2+s31], $0x40, s12, s31, $0xb8;
	[tilespmem:$0x1CA00] =	vst v63  }
0x4f: {  	s0 =	simm.s32 @!p0 $0x18200  }
0x50: {  	[tilespmem:s0], [sflag:$0x4] =	stream.indirect.gather @!p0 [hbm4b:s4+s31], $0x10, s12, s31, $0xb8;
	[tilespmem:$0x1CA00] =	vst v63  }
0x51: {  	_ =	swait.ge [sflag:s26], $0x6000  }
0x52: {  	[sflag:s26] =	ssyncset.done $0x0  }
0x53: {  	[sflag:s26] =	ssyncadd.s32 $0xFFFFA000  }
0x54: {  	s31 =	sadd.s32 s7, s1;
	_ =	swait.ge [sflag:s28], $0x1800  }
0x55: {  	s1 =	sshll.u32 s31, $0x3;
	[sflag:s28] =	ssyncset.done $0x0  }
0x56: {  	s0 =	sshll.u32 s31, $0x1;
	s1 =	sadd.s32 s5, s1;
	[sflag:s28] =	ssyncadd.s32 $0xFFFFE800  }
0x57: {  	[hbm4b:s1+s3] =	stream.linear.scatter [tilespmem:s20], [sflag:$0x9], $0x6000, $0x38;
	[tilespmem:$0x1CA00] =	vst v63  }
0x58: {  	s0 =	sadd.s32 s6, s0  }
0x59: {  	[hbm4b:s0+s3] =	stream.linear.scatter [tilespmem:s21], [sflag:$0xC], $0x1800, $0x38;
	[tilespmem:$0x1CA00] =	vst v63  }
0x5a: {  	_ =	swait.ge [sflag:s29], $0x6000  }
.Ltmp2:
0x5b: {  	[sflag:s29] =	ssyncset.done $0x0;
	(pc) =	sbr.rel @p0 .LBB2_4-.Ltmp2, $4  }
0x5c: {  	[sflag:s29] =	ssyncadd.s32 $0xFFFFA000  }
0x5d: {  	_ =	swait.ge [sflag:s30], $0x1800  }
0x5e: {  	[sflag:s30] =	ssyncset.done $0x0  }
0x5f: {  	[sflag:s30] =	ssyncadd.s32 $0xFFFFE800  }
.Ltmp3:
0x60: {  	s0 =	smin.u32 s8, $0x5A80;
	(pc) =	sbr.rel .LBB2_2-.Ltmp3, $4  }
0x61: {  	s0 =	sadd.s32 $0x600, s0  }
0x62: {  	[tilespmem:s16], [sflag:$0x2] =	stream.indirect.gather [hbm4b:s2+s13], $0x40, s0, s13, $0xb8;
	[tilespmem:$0x1CA00] =	vst v63  }
0x63: {  	s8 =	sadd.s32 $0x480, s8;
	s9 =	sadd.s32 $0x900, s9;
	s11 =	sadd.s32 $0x2400, s11  }
0x64: {  	[tilespmem:s17], [sflag:$0x5] =	stream.indirect.gather [hbm4b:s4+s13], $0x10, s0, s13, $0xb8;
	[tilespmem:$0x1CA00] =	vst v63  }
.LBB2_5:
0x65: {  	_ =	sfence.sel $0x180000  }
0x66: {  	[bflag:$0x0] =	sbarrier.arrive $0xFFFF  }
0x67: {  	_ =	strace $0x9000004A  }
0x68: {  	s0 =	stileid.u32;
	[bflag:$0x2] =	sbarrier.arrive $0xFFFF  }
0x69: {  	p0 =	sne.s32 s0, $0x0;
	s0 =	rddreg [dreg:$0x2]  }
0x6a: {  	s0 =	sadd.s32 @!p0 $0x100000, s0  }
0x6b: {  	[sflag:s0] =	ssyncadd.tile.s32 @!p0 $0x1;
	_ =	shalt  }
.Lfunc_end2:
_tile_overlayer_lowered:
.L_overlay_start_2:
0x6c: {  	(tag) =	ssettag $0x2  }
0x6d: {  	s0 =	rddreg [dreg:$0x0];
	s2 =	stileid.u32  }
0x6e: {  	s1 =	rddreg [dreg:$0x1];
	p0 =	sne.s32 s2, $0x0  }
0x6f: {  	s3 =	rddreg [dreg:$0x2];
	[bflag:$0x3] =	sbarrier.arrive $0xFFFF;
	s2 =	simm.s32 @!p0 $0x1C0D  }
0x70: {  	[timem:s3], [sflag:s2] =	dma.local @!p0 [hbm:s0], s1  }
0x71: {  	s0 =	simm.s32 @!p0 $0xD  }
0x72: {  	_ =	swait.ge @!p0 [sflag:s0], s1  }
0x73: {  	s1 =	ssub.s32 @!p0 $0x0, s1;
	[sflag:s0] =	ssyncset.done @!p0 $0x0  }
0x74: {  	[sflag:s0] =	ssyncadd.s32 @!p0 s1  }
0x75: {  	[bflag:$0x3] =	sbarrier.arrive $0xFFFF  }
0x76: {  	_ =	shalt  }

// kernel: kernel.16.cloned.1.call-start
scs
__scs_entry_jumppad:
0x0: {  	(pc) =	sbr.rel $0x88, $3  }
0x1: {  	(tag) =	ssettag $0x0;
	lr =	simm.s32 $0x1  }
0x2: {  	[smem:$0x3F8A] =	sst lr;
	_ =	strace $0xD0000000  }
0x3: {  	_ = 	snop  }
0x4: {  	_ = 	snop  }
0x5: {  	_ = 	snop  }
0x6: {  	_ = 	snop  }
0x7: {  	_ = 	snop  }
__scs_overlays_trampoline_lowered:
0x8: {  	[smem:$0x3F99] =	sst s0  }
0x9: {  	[smem:$0x3F9A] =	sst s1  }
0xa: {  	[smem:$0x3F9B] =	sst s2  }
0xb: {  	[smem:$0x3F9C] =	sst s3  }
0xc: {  	[smem:$0x3F9D] =	sst s4  }
0xd: {  	[smem:$0x3F9E] =	sst s5  }
0xe: {  	[smem:$0x3F9F] =	sst s6  }
0xf: {  	[smem:$0x3FA0] =	sst s7  }
0x10: {  	[smem:$0x3FA1] =	sst s8  }
0x11: {  	[smem:$0x3FA2] =	sst s9;
	s0 =	simm.s32 @!p0 $0x0  }
0x12: {  	s1 =	sld [smem:$0x3F88];
	s0 =	simm.s32 @p0 $0x1  }
0x13: {  	[smem:$0x3FA3] =	sst s0;
	s0 =	simm.s32 @!p1 $0x0  }
0x14: {  	s2 =	sld [smem:$0x3F87];
	s0 =	simm.s32 @p1 $0x1  }
0x15: {  	[smem:$0x3FA4] =	sst s0;
	s0 =	simm.s32 @!p2 $0x0  }
0x16: {  	s3 =	sld [smem:$0x3FDB];
	s0 =	simm.s32 @p2 $0x1  }
0x17: {  	s4 =	simm.s32 $0x1BF5;
	[smem:$0x3FA6] =	sst s0  }
0x18: {  	s0 =	sld [smem:$0x3F89];
	_ =	swait.ge [sflag:s4], $0x0  }
0x19: {  	s7 =	sld [smem:$0x3F8A]  }
0x1a: {  	s8 =	sadd.s32 $0xFFFFE003, lr  }
0x1b: {  	s9 =	sadd.s32 $0xFFFFFEF7, lr;
	s5 =	simm.s32 $0xFFFFFFFF;
	p2 =	slt.u32 s8, $0xFFFFF086  }
0x1c: {  	p1 =	slt.u32 s9, $0xF7A;
	s5 =	simm.s32 @!p2 $0x0  }
0x1d: {  	s5 =	simm.s32 @p1 $0x1;
	p0 =	seq.s32 s7, s2  }
0x1e: {  	s7 =	smul.u32 @!p0 $0xF7A, s2;
	p2 =	seq.s32 @!p0 s5, $0x0  }
0x1f: {  	s9 =	smul.u32 $0xF7A, s1;
	s8 =	simm.s32 @!p0 $0x1BF5;
	p2 =	por !p2, p0  }
0x20: {  	[sflag:s8] =	ssyncset.s32 @!p0 $0xFFFFF086;
	s6 =	sadd.s32 @!p0 s3, s7;
	s7 =	simm.s32 @!p0 $0x108  }
0x21: {  	s3 =	sadd.s32 s3, s9;
	s6 =	sadd.s32 @!p0 $0x88, s6;
	s7 =	simm.s32 @p2 $0x1082  }
0x22: {  	[simem:s7], [sflag:s8] =	dma.local @!p0 [hbm:s6], $0xF7A  }
0x23: {  	s9 =	sor.u32 $0xD0000000, s2;
	s6 =	simm.s32 $0x108;
	_ =	swait.ge @!p0 [sflag:s8], $0x0  }
0x24: {  	s3 =	sadd.s32 $0x88, s3;
	s6 =	simm.s32 @!p1 $0x1082;
	[sflag:s4] =	ssyncset.s32 $0xFFFFF086  }
0x25: {  	[simem:s6], [sflag:s4] =	dma.local [hbm:s3], $0xF7A  }
0x26: {  	[smem:$0x3F8A] =	sst s1;
	(tag) =	ssettag s2;
	_ =	strace s9  }
0x27: {  	s1 =	sld [smem:$0x3F9A]  }
0x28: {  	s2 =	sld [smem:$0x3F9B]  }
0x29: {  	s4 =	sld [smem:$0x3F9D]  }
0x2a: {  	p0 =	seq.s32 s5, $0x0;
	s5 =	sld [smem:$0x3F9E]  }
0x2b: {  	s6 =	sld [smem:$0x3F9F]  }
0x2c: {  	s7 =	sld [smem:$0x3FA0]  }
0x2d: {  	s3 =	simm.s32 $0x108;
	s8 =	sld [smem:$0x3FA1]  }
0x2e: {  	s3 =	simm.s32 @!p0 $0x1082;
	s9 =	sld [smem:$0x3FA2]  }
0x2f: {  	lr =	sadd.s32 s0, s3;
	s0 =	sld [smem:$0x3F99]  }
0x30: {  	s3 =	sld [smem:$0x3F9C]  }
0x31: {  	[smem:$0x3FA5] =	sst s10  }
0x32: {  	s10 =	sld [smem:$0x3FA3];
	_ =	sdelay $0x3  }
0x33: {  	p0 =	seq.s32 s10, $0x1;
	s10 =	sld [smem:$0x3FA5];
	_ =	sdelay $0x3  }
0x34: {  	[smem:$0x3FA5] =	sst s10  }
0x35: {  	s10 =	sld [smem:$0x3FA4];
	_ =	sdelay $0x3  }
0x36: {  	p1 =	seq.s32 s10, $0x1;
	s10 =	sld [smem:$0x3FA5];
	_ =	sdelay $0x3  }
0x37: {  	[smem:$0x3FA5] =	sst s10  }
0x38: {  	s10 =	sld [smem:$0x3FA6]  }
0x39: {  	_ = 	snop;
	(pc) =	sbr.ind lr, $3  }
0x3a: {  	_ = 	snop  }
0x3b: {  	_ = 	snop  }
0x3c: {  	p2 =	seq.s32 s10, $0x1;
	s10 =	sld [smem:$0x3FA5]  }
0x3d: {  	_ =	shalt  }
0x3e: {  	_ =	shalt  }
0x3f: {  	_ =	shalt  }
0x40: {  	_ =	shalt  }
0x41: {  	_ =	shalt  }
0x42: {  	_ =	shalt  }
0x43: {  	_ =	shalt  }
0x44: {  	_ =	shalt  }
0x45: {  	_ =	shalt  }
0x46: {  	_ =	shalt  }
0x47: {  	_ =	shalt  }
0x48: {  	_ =	shalt  }
0x49: {  	_ =	shalt  }
0x4a: {  	_ =	shalt  }
0x4b: {  	_ =	shalt  }
0x4c: {  	_ =	shalt  }
0x4d: {  	_ =	shalt  }
0x4e: {  	_ =	shalt  }
0x4f: {  	_ =	shalt  }
0x50: {  	_ =	shalt  }
0x51: {  	_ =	shalt  }
0x52: {  	_ =	shalt  }
0x53: {  	_ =	shalt  }
0x54: {  	_ =	shalt  }
0x55: {  	_ =	shalt  }
0x56: {  	_ =	shalt  }
0x57: {  	_ =	shalt  }
0x58: {  	_ =	shalt  }
0x59: {  	_ =	shalt  }
0x5a: {  	_ =	shalt  }
0x5b: {  	_ =	shalt  }
0x5c: {  	_ =	shalt  }
0x5d: {  	_ =	shalt  }
0x5e: {  	_ =	shalt  }
0x5f: {  	_ =	shalt  }
0x60: {  	_ =	shalt  }
0x61: {  	_ =	shalt  }
0x62: {  	_ =	shalt  }
0x63: {  	_ =	shalt  }
0x64: {  	_ =	shalt  }
0x65: {  	_ =	shalt  }
0x66: {  	_ =	shalt  }
0x67: {  	_ =	shalt  }
0x68: {  	_ =	shalt  }
0x69: {  	_ =	shalt  }
0x6a: {  	_ =	shalt  }
0x6b: {  	_ =	shalt  }
0x6c: {  	_ =	shalt  }
0x6d: {  	_ =	shalt  }
0x6e: {  	_ =	shalt  }
0x6f: {  	_ =	shalt  }
0x70: {  	_ =	shalt  }
0x71: {  	_ =	shalt  }
0x72: {  	_ =	shalt  }
0x73: {  	_ =	shalt  }
0x74: {  	_ =	shalt  }
0x75: {  	_ =	shalt  }
0x76: {  	_ =	shalt  }
0x77: {  	_ =	shalt  }
0x78: {  	_ =	shalt  }
0x79: {  	_ =	shalt  }
0x7a: {  	_ =	shalt  }
0x7b: {  	_ =	shalt  }
0x7c: {  	_ =	shalt  }
0x7d: {  	_ =	shalt  }
0x7e: {  	_ =	shalt  }
0x7f: {  	_ =	shalt  }
0x80: {  	_ =	shalt  }
0x81: {  	_ =	shalt  }
0x82: {  	_ =	shalt  }
0x83: {  	_ =	shalt  }
0x84: {  	_ =	shalt  }
0x85: {  	_ =	shalt  }
0x86: {  	_ =	shalt  }
0x87: {  	_ =	shalt  }
.Lfunc_end0:
.L_simem_size_0:
called_computation.2_lowered:
.L_overlay_start_0:
0x88: {  	s2 =	sld [smem:$0x3FD9]  }
0x89: {  	s3 =	sld [smem:$0x3FFE];
	_ =	sdelay $0x1  }
0x8a: {  	s1 =	srdreg.scid  }
0x8b: {  	s0 =	sand.u32 $0x1, s1  }
0x8c: {  	s17 =	sshll.u32 s0, $0xA;
	s2 =	sadd.s32 s3, s2  }
0x8d: {  	s2 =	sadd.s32 s2, s17  }
0x8e: {  	[smem:$0x3FB1] =	sst s2  }
0x8f: {  	_ = 	snop  }
0x90: {  	(tm) =	ssettm $0x1  }
0x91: {  	s18 =	sld [smem:$0x3FFB];
	_ =	sdelay $0x3  }
0x92: {  	_ =	strace s18  }
0x93: {  	s2 =	sld [smem:$0x3FFC];
	_ =	sdelay $0x3  }
0x94: {  	_ =	strace s2  }
0x95: {  	s2 =	sld [smem:$0x3FFD];
	_ =	sdelay $0x3  }
0x96: {  	_ =	strace s2  }
0x97: {  	_ =	strace $0x8FFFFFFF  }
0x98: {  	s19 =	sld [smem:$0x3FDB];
	_ =	sdelay $0x1  }
0x99: {  	s20 =	simm.s32 $_scs_section_size  }
0x9a: {  	s4 =	simm.s32 $_size__tile_overlayer_lowered;
	s5 =	simm.s32 $_tile_overlayer_lowered  }
0x9b: {  	s6 =	simm.s32 $0x1BFF;
	s21 =	sshll.u32 s5, $0x1;
	s3 =	sadd.s32 s20, s19  }
0x9c: {  	s22 =	simm.s32 $0x0;
	s4 =	sshll.u32 s4, $0x1;
	s5 =	sadd.s32 s21, s3  }
0x9d: {  	[timem:s22], [sflag:s6] =	dma.local [hbm:s5], s4  }
0x9e: {  	_ =	swait.ge [sflag:s6], s4  }
0x9f: {  	s4 =	ssub.s32 $0x0, s4;
	[sflag:s6] =	ssyncset.done $0x0  }
0xa0: {  	[sflag:s6] =	ssyncadd.s32 s4;
	_ =	sdelay $0x1  }
0xa1: {  	s23 =	simm.s32 $0x1B8B  }
0xa2: {  	_ =	swait.ge [sflag:s23], $0x1  }
0xa3: {  	[sflag:s23] =	ssyncset.done $0x0  }
0xa4: {  	[sflag:s23] =	ssyncadd.s32 $0xFFFFFFFF  }
0xa5: {  	s4 =	sld [smem:$0x0]  }
0xa6: {  	s5 =	sand.u32 $0xFFFFFFFE, s1  }
0xa7: {  	p0 =	sne.s32 s1, s5  }
0xa8: {  	s5 =	sshll.u32 @p0 s5, $0xE  }
0xa9: {  	s5 =	sadd.s32 @p0 $0x11B8D, s5;
	s6 =	sshll.u32 @p0 s4, $0x11  }
0xaa: {  	s5 =	sor.u32 @p0 s6, s5  }
0xab: {  	[sflag:s5] =	ssyncadd.remote.s32 @p0 $0x1;
	_ =	sdelay $0x1  }
0xac: {  	s5 =	simm.s32 @p0 $0x1B8D  }
0xad: {  	_ =	swait.eq @p0 [sflag:s5], $0x1  }
0xae: {  	[sflag:s5] =	ssyncadd.s32 @p0 $0xFFFFFFFF  }
0xaf: {  	s6 =	sshll.u32 @!p0 s1, $0xE  }
0xb0: {  	s6 =	sor.u32 @!p0 $0x4000, s6;
	s5 =	simm.s32 @!p0 $0x1B8D  }
0xb1: {  	s4 =	sshll.u32 @!p0 s4, $0x11;
	s6 =	sadd.s32 @!p0 $0x11B8D, s6;
	_ =	swait.eq @!p0 [sflag:s5], $0x1  }
0xb2: {  	s4 =	sor.u32 @!p0 s4, s6;
	[sflag:s5] =	ssyncadd.s32 @!p0 $0xFFFFFFFF  }
0xb3: {  	s25 =	simm.s32 $0x1B8E;
	s24 =	sld [smem:$0x3FFE];
	[sflag:s4] =	ssyncadd.remote.s32 @!p0 $0x1  }
0xb4: {  	s26 =	simm.s32 $execute0_lowered;
	[smem:$0x3FD2] =	sst s25  }
0xb5: {  	s5 =	sshll.u32 s26, $0x1;
	_ =	strace $0x8000004C;
	[dreg:$0x1] =	wrdreg $0xFFFFFFFF  }
0xb6: {  	s28 =	simm.s32 $_size_execute0_lowered;
	s3 =	sadd.s32 s3, s5;
	[dreg:$0x0] =	wrdreg $0x0  }
0xb7: {  	s5 =	sshll.u32 s28, $0x1;
	[dreg:$0x2] =	wrdreg s3  }
0xb8: {  	[dreg:$0x3] =	wrdreg s5  }
0xb9: {  	[dreg:$0x4] =	wrdreg $0xC0  }
0xba: {  	_ =	task [dreg:s22], $0x5FFFF  }
0xbb: {  	[dreg:$0x1] =	wrdreg $0xFFFFFFFF  }
0xbc: {  	[dreg:$0x0] =	wrdreg $0x60  }
0xbd: {  	[dreg:$0x2] =	wrdreg s24  }
0xbe: {  	[dreg:$0x3] =	wrdreg $0xA  }
0xbf: {  	_ =	task.clear_ibuf [dreg:s22], $0x4FFFF;
	_ =	strace $0x9000004C  }
0xc0: {  	s29 =	simm.s32 $0xA;
	_ =	strace $0x8000004E  }
0xc1: {  	_ =	swait.ge [sflag:s29], $0x1  }
0xc2: {  	[sflag:s29] =	ssyncadd.s32 $0xFFFFFFFF  }
0xc3: {  	_ =	strace $0x9000004E  }
0xc4: {  	_ =	sfence  }
0xc5: {  	s30 =	sld [smem:$0x0];
	_ =	sdelay $0x2  }
0xc6: {  	s31 =	sshll.u32 s1, $0xD;
	s1 =	sshrl.u32 s1, $0x2  }
0xc7: {  	s4 =	sand.u32 $0x4000, s31;
	s1 =	sadd.s32 s1, s30  }
0xc8: {  	s0 =	sor.u32 s4, s0;
	s1 =	sshll.u32 s1, $0x11  }
0xc9: {  	s0 =	sor.u32 s1, s0  }
0xca: {  	s0 =	sadd.s32 $0x8F2B, s0  }
0xcb: {  	[sflag:s0] =	ssyncadd.remote.s32 $0x1  }
0xcc: {  	_ =	sfence.sel $0xFFFF  }
0xcd: {  	[dreg:$0x0] =	wrdreg $0xFFFFFFFF;
	(pc) =	sbr.abs _section_cstart, $3  }
0xce: {  	[dreg:$0x1] =	wrdreg $0xFFFFFFFF  }
0xcf: {  	_ =	task.clear_ibuf [dreg:s22], $0x2FFFF;
	_ =	strace $0x9FFFFFFF  }
0xd0: {  	(tm) =	ssettm $0x7FFFFFFF  }
0xd1: {  	_ =	shalt  }
tec
execute0_lowered:
.L_overlay_start_1:
0x0: {  	(tag) =	ssettag $0x1  }
0x1: {  	s1 =	srdreg.scid;
	s0 =	stileid.u32  }
0x2: {  	s4 =	rddreg [dreg:$0x0];
	s2 =	simm.s32 $0x0;
	s12 =	simm.s32 $0x7  }
0x3: {  	s13 =	simm.s32 $0x180;
	s14 =	simm.s32 $0x6200;
	s15 =	simm.s32 $0xC200  }
0x4: {  	s16 =	simm.s32 $0x1;
	s17 =	simm.s32 $0x300;
	s18 =	simm.s32 $0x12200  }
0x5: {  	s19 =	simm.s32 $0x2;
	s20 =	simm.s32 $0x4;
	s21 =	simm.s32 $0x3  }
0x6: {  	s22 =	simm.s32 $0x5;
	s23 =	simm.s32 $0x600;
	s24 =	simm.s32 $0x6  }
0x7: {  	s3 =	sand.u32 $0x1, s1;
	s29 =	sshll.u32 s0, $0x1;
	s6 =	smul.u32 $0xC40, s0  }
0x8: {  	s25 =	simm.s32 $0x0;
	s1 =	sor.u32 s3, s29;
	s9 =	smul.u32 $0x620, s3  }
0x9: {  	[smem:$0x7FF] =	sst s2;
	s30 =	ssub.s32 $0x2, s3;
	s5 =	smul.u32 $0x620, s1  }
0xa: {  	_ =	strace $0x8000004D;
	s3 =	sadd.s32 $0x1D1C00, s4;
	s10 =	sshrl.u32 s30, $0x1  }
0xb: {  	s10 =	ssub.s32 s30, s10;
	s9 =	sadd.s32 s9, s6;
	s7 =	smin.u32 s5, $0xBD30  }
.Ltmp0:
0xc: {  	s9 =	smin.u32 s9, $0xBD30;
	s5 =	sshll.u32 s7, $0x1;
	(pc) =	sbr.rel .LBB2_1-.Ltmp0, $4  }
0xd: {  	s31 =	sshll.u32 s7, $0x7;
	s11 =	sshll.u32 s9, $0x7;
	s8 =	sadd.s32 s5, s4  }
0xe: {  	s4 =	sadd.s32 $0xAE1600, s4;
	s5 =	sshll.u32 s7, $0x4;
	s7 =	smax.u32 s10, $0x1  }
0xf: {  	s6 =	sadd.s32 $0x1A200, s8;
	s8 =	sadd.s32 s4, s31;
	s11 =	sadd.s32 s11, s4  }
0x10: {  	s9 =	sadd.s32 $0xC00, s8;
	s10 =	sadd.s32 $0x1800, s8;
	s11 =	sadd.s32 $0x3000, s11  }
.LBB2_4:
0x11: {  	s25 =	sadd.s32 $0x1, s25  }
0x12: {  	p0 =	sne.s32 s25, s7  }
.Ltmp1:
0x13: {  	_ = 	snop;
	(pc) =	sbr.rel @!p0 .LBB2_5-.Ltmp1, $4  }
0x14: {  	_ = 	snop  }
0x15: {  	_ =	swait.ge [sflag:s24], $0x6000  }
0x16: {  	[sflag:s24] =	ssyncset.done $0x0  }
0x17: {  	[sflag:s24] =	ssyncadd.s32 $0xFFFFA000  }
.LBB2_1:
0x18: {  	[tilespmem:s2], [sflag:$0x7] =	stream.linear.gather [hbm4b:s6+s2], $0x6200, $0x38;
	[tilespmem:$0x18200] =	vst v63  }
0x19: {  	_ =	swait.ge [sflag:s12], $0x6200  }
0x1a: {  	[sflag:s12] =	ssyncset.done $0x0  }
0x1b: {  	[sflag:s12] =	ssyncadd.s32 $0xFFFF9E00  }
0x1c: {  	[tilespmem:s14], [sflag:$0x1] =	stream.indirect.gather [hbm4b:s3+s13], $0x40, s2, s13, $0xb8;
	[tilespmem:$0x18200] =	vst v63  }
0x1d: {  	_ = 	snop  }
0x1e: {  	[tilespmem:s15], [sflag:$0x2] =	stream.indirect.gather [hbm4b:s3+s13], $0x40, s13, s13, $0xb8;
	[tilespmem:$0x18200] =	vst v63  }
0x1f: {  	_ =	swait.ge [sflag:s16], $0x6000  }
0x20: {  	[sflag:s16] =	ssyncset.done $0x0  }
0x21: {  	[sflag:s16] =	ssyncadd.s32 $0xFFFFA000  }
0x22: {  	[hbm4b:s8+s2] =	stream.linear.scatter [tilespmem:s14], [sflag:$0x4], $0x6000, $0x38;
	[tilespmem:$0x18200] =	vst v63  }
0x23: {  	_ = 	snop  }
0x24: {  	[tilespmem:s18], [sflag:$0x3] =	stream.indirect.gather [hbm4b:s3+s13], $0x40, s17, s13, $0xb8;
	[tilespmem:$0x18200] =	vst v63  }
0x25: {  	_ =	swait.ge [sflag:s19], $0x6000  }
0x26: {  	[sflag:s19] =	ssyncset.done $0x0  }
0x27: {  	[sflag:s19] =	ssyncadd.s32 $0xFFFFA000  }
0x28: {  	[hbm4b:s9+s2] =	stream.linear.scatter [tilespmem:s15], [sflag:$0x5], $0x6000, $0x38;
	[tilespmem:$0x18200] =	vst v63  }
0x29: {  	_ =	swait.ge [sflag:s20], $0x6000  }
0x2a: {  	[sflag:s20] =	ssyncset.done $0x0  }
0x2b: {  	s26 =	simm.s32 $0x480;
	[sflag:s20] =	ssyncadd.s32 $0xFFFFA000  }
0x2c: {  	[tilespmem:s14], [sflag:$0x1] =	stream.indirect.gather [hbm4b:s3+s13], $0x40, s26, s13, $0xb8;
	[tilespmem:$0x18200] =	vst v63  }
0x2d: {  	_ =	swait.ge [sflag:s21], $0x6000  }
0x2e: {  	[sflag:s21] =	ssyncset.done $0x0  }
0x2f: {  	[sflag:s21] =	ssyncadd.s32 $0xFFFFA000  }
0x30: {  	[hbm4b:s10+s2] =	stream.linear.scatter [tilespmem:s18], [sflag:$0x6], $0x6000, $0x38;
	[tilespmem:$0x18200] =	vst v63  }
0x31: {  	_ =	swait.ge [sflag:s22], $0x6000  }
0x32: {  	[sflag:s22] =	ssyncset.done $0x0  }
0x33: {  	s28 =	smov.u32 s11;
	[sflag:s22] =	ssyncadd.s32 $0xFFFFA000  }
0x34: {  	[tilespmem:s15], [sflag:$0x2] =	stream.indirect.gather [hbm4b:s3+s13], $0x40, s23, s13, $0xb8;
	[tilespmem:$0x18200] =	vst v63  }
.LBB2_2:
0x35: {  	_ =	swait.ge [sflag:s16], $0x6000  }
0x36: {  	[sflag:s16] =	ssyncset.done $0x0  }
0x37: {  	s29 =	sadd.s32 $0xFFFFF400, s28;
	[sflag:s16] =	ssyncadd.s32 $0xFFFFA000  }
0x38: {  	[hbm4b:s29+s2] =	stream.linear.scatter [tilespmem:s14], [sflag:$0x4], $0x6000, $0x38;
	[tilespmem:$0x18200] =	vst v63  }
0x39: {  	_ =	swait.ge [sflag:s24], $0x6000  }
0x3a: {  	s30 =	smin.u32 s26, $0x5D80;
	[sflag:s24] =	ssyncset.done $0x0  }
0x3b: {  	s29 =	sadd.s32 $0x300, s30;
	[sflag:s24] =	ssyncadd.s32 $0xFFFFA000  }
0x3c: {  	[tilespmem:s18], [sflag:$0x3] =	stream.indirect.gather [hbm4b:s3+s13], $0x40, s29, s13, $0xb8;
	[tilespmem:$0x18200] =	vst v63  }
0x3d: {  	_ =	swait.ge [sflag:s19], $0x6000  }
0x3e: {  	[sflag:s19] =	ssyncset.done $0x0  }
0x3f: {  	[sflag:s19] =	ssyncadd.s32 $0xFFFFA000  }
0x40: {  	[hbm4b:s28+s2] =	stream.linear.scatter [tilespmem:s15], [sflag:$0x5], $0x6000, $0x38;
	[tilespmem:$0x18200] =	vst v63  }
0x41: {  	p0 =	seq.s32 s26, $0x5E80;
	_ =	swait.ge [sflag:s20], $0x6000  }
0x42: {  	s31 =	simm.s32 @!p0 $0x180;
	s30 =	smin.u32 @!p0 s26, $0x5C00;
	[sflag:s20] =	ssyncset.done $0x0  }
0x43: {  	s1 =	simm.s32 @!p0 $0x6200;
	s30 =	sadd.s32 @!p0 $0x480, s30;
	[sflag:s20] =	ssyncadd.s32 $0xFFFFA000  }
0x44: {  	[tilespmem:s1], [sflag:$0x1] =	stream.indirect.gather @!p0 [hbm4b:s3+s31], $0x40, s30, s31, $0xb8;
	[tilespmem:$0x18200] =	vst v63  }
0x45: {  	s31 =	sadd.s32 s5, s29;
	_ =	swait.ge [sflag:s21], $0x6000  }
0x46: {  	s1 =	sshll.u32 s31, $0x3;
	[sflag:s21] =	ssyncset.done $0x0  }
.Ltmp2:
0x47: {  	s1 =	sadd.s32 s4, s1;
	[sflag:s21] =	ssyncadd.s32 $0xFFFFA000;
	(pc) =	sbr.rel @p0 .LBB2_4-.Ltmp2, $4  }
0x48: {  	[hbm4b:s1+s2] =	stream.linear.scatter [tilespmem:s18], [sflag:$0x6], $0x6000, $0x38;
	[tilespmem:$0x18200] =	vst v63  }
0x49: {  	_ =	swait.ge [sflag:s22], $0x6000  }
0x4a: {  	[sflag:s22] =	ssyncset.done $0x0  }
0x4b: {  	[sflag:s22] =	ssyncadd.s32 $0xFFFFA000  }
.Ltmp3:
0x4c: {  	(pc) =	sbr.rel .LBB2_2-.Ltmp3, $4  }
0x4d: {  	_ = 	snop  }
0x4e: {  	s1 =	smin.u32 s26, $0x5A80  }
0x4f: {  	s26 =	sadd.s32 $0x480, s26;
	s28 =	sadd.s32 $0x2400, s28;
	s1 =	sadd.s32 $0x600, s1  }
0x50: {  	[tilespmem:s15], [sflag:$0x2] =	stream.indirect.gather [hbm4b:s3+s13], $0x40, s1, s13, $0xb8;
	[tilespmem:$0x18200] =	vst v63  }
.LBB2_5:
0x51: {  	_ =	sfence.sel $0x180000  }
0x52: {  	[bflag:$0x0] =	sbarrier.arrive $0xFFFF  }
0x53: {  	_ =	strace $0x9000004D  }
0x54: {  	[bflag:$0x2] =	sbarrier.arrive $0xFFFF  }
0x55: {  	p0 =	sne.s32 s0, $0x0;
	s0 =	rddreg [dreg:$0x1]  }
0x56: {  	s0 =	sadd.s32 @!p0 $0x100000, s0  }
0x57: {  	[sflag:s0] =	ssyncadd.tile.s32 @!p0 $0x1;
	_ =	shalt  }
.Lfunc_end2:
_tile_overlayer_lowered:
.L_overlay_start_2:
0x58: {  	(tag) =	ssettag $0x2  }
0x59: {  	s0 =	rddreg [dreg:$0x0];
	s2 =	stileid.u32  }
0x5a: {  	s1 =	rddreg [dreg:$0x1];
	p0 =	sne.s32 s2, $0x0  }
0x5b: {  	s3 =	rddreg [dreg:$0x2];
	[bflag:$0x3] =	sbarrier.arrive $0xFFFF;
	s2 =	simm.s32 @!p0 $0x1C07  }
0x5c: {  	[timem:s3], [sflag:s2] =	dma.local @!p0 [hbm:s0], s1  }
0x5d: {  	s0 =	simm.s32 @!p0 $0x7  }
0x5e: {  	_ =	swait.ge @!p0 [sflag:s0], s1  }
0x5f: {  	s1 =	ssub.s32 @!p0 $0x0, s1;
	[sflag:s0] =	ssyncset.done @!p0 $0x0  }
0x60: {  	[sflag:s0] =	ssyncadd.s32 @!p0 s1  }
0x61: {  	[bflag:$0x3] =	sbarrier.arrive $0xFFFF  }
0x62: {  	_ =	shalt  }

</sc_bundles>
